<compile_context>
chip_gen: v7x
topology: tpu7x:2x2x1
jax: 0.10.2.dev20260603
libtpu: 0.0.44.dev20260713+nightly
codegen_flags: <defaults>
</compile_context>

<pallas_src>
import functools

import jax
import jax.numpy as jnp
from jax import lax
from jax.experimental import pallas as pl
from jax.experimental.pallas import tpu as pltpu
from jax.experimental.pallas import tpu_sc as plsc

HIDDEN = 768
WIDTH = 32
NUM_POS = WIDTH * WIDTH + 1
N = 262144

NC, NS, L = 2, 16, 16
NW = NC * NS
BPW = N // NW
NBUF = 4
LEAD = 2
CHUNK = 32
NCHUNK = BPW // CHUNK

_mesh = plsc.VectorSubcoreMesh(core_axis_name="c", subcore_axis_name="s")


@functools.partial(
    pl.kernel,
    out_type=jax.ShapeDtypeStruct((N, HIDDEN), jnp.float32),
    mesh=_mesh,
    scratch_types=[
        pltpu.VMEM((BPW,), jnp.float32),
        pltpu.VMEM((BPW,), jnp.float32),
        pltpu.VMEM((BPW,), jnp.int32),
        pltpu.VMEM((NBUF, CHUNK, HIDDEN), jnp.float32),
    ] + [pltpu.SemaphoreType.DMA] * (2 * NBUF),
)
def _uv_pos_gather(x_hbm, y_hbm, table_hbm, out_hbm, x_v, y_v, idx_v, rows_v,
                   *sems):
    gsems = sems[:NBUF]
    wsems = sems[NBUF:]
    wid = lax.axis_index("s") * NC + lax.axis_index("c")
    base = wid * BPW

    pltpu.sync_copy(x_hbm.at[pl.ds(base, BPW)], x_v)
    pltpu.sync_copy(y_hbm.at[pl.ds(base, BPW)], y_v)

    def idx_body(j, carry):
        x = x_v[pl.ds(L * j, L)]
        y = y_v[pl.ds(L * j, L)]
        idx = (x * WIDTH).astype(jnp.int32) * WIDTH + (y * WIDTH).astype(jnp.int32) + 1
        idx_v[pl.ds(L * j, L)] = idx + NUM_POS * (j & 3)
        return carry

    lax.fori_loop(0, BPW // L, idx_body, 0)

    def start_gather(c, b):
        pltpu.async_copy(
            table_hbm.at[idx_v.at[pl.ds(c * CHUNK, CHUNK)]],
            rows_v.at[b],
            gsems[b],
        )

    def out_copy(c, b):
        return pltpu.make_async_copy(
            rows_v.at[b],
            out_hbm.at[pl.ds(base + c * CHUNK, CHUNK)],
            wsems[b],
        )

    for p in range(LEAD):
        start_gather(p, p)

    def gather_body(t, carry):
        for b in range(NBUF):
            c = NBUF * t + b
            bd = (b + LEAD) % NBUF
            pltpu.make_async_copy(
                table_hbm.at[idx_v.at[pl.ds(c * CHUNK, CHUNK)]],
                rows_v.at[b],
                gsems[b],
            ).wait()

            @pl.when(c >= LEAD)
            def _():
                out_copy(c - LEAD, bd).wait()

            @pl.when(c + LEAD < NCHUNK)
            def _():
                start_gather(c + LEAD, bd)

            out_copy(c, b).start()

        return carry

    lax.fori_loop(0, NCHUNK // NBUF, gather_body, 0)

    for p in range(LEAD):
        c = NCHUNK - LEAD + p
        out_copy(c, c % NBUF).wait()


def kernel(pos, positional_embeddings):
    table = positional_embeddings.reshape(NUM_POS, HIDDEN)
    table4 = jnp.tile(table, (4, 1))
    out = _uv_pos_gather(pos[:, 0], pos[:, 1], table4)
    return out[None]

# --- scband reference (transcript-rebuilt; emitter-appended) ---
"""Pipeline reference for scband-uv-pos-embedding-42236708388920 (READ-ONLY COPY).

The authoritative reference and input builder live on the scoring server;
editing this copy changes nothing except your own understanding.
"""

import jax, jax.numpy as jnp
import numpy as np

HIDDEN_SIZE = 768
PATCH_SIZE = 16
IMG_DIM = 512
WIDTH = IMG_DIM // PATCH_SIZE  # 32
NUM_POS = WIDTH * WIDTH + 1    # 1025
N = 262144


def setup_inputs(seed: int = 0) -> dict:
    key = jax.random.key(seed)
    k1, k2 = jax.random.split(key)
    pos = jax.random.uniform(k1, (N, 2), dtype=jnp.float32)
    positional_embeddings = jax.random.normal(k2, (1, NUM_POS, HIDDEN_SIZE), dtype=jnp.float32) * 0.02
    return {"pos": pos, "positional_embeddings": positional_embeddings}


def reference(pos, positional_embeddings):
    p = jnp.floor(pos * WIDTH)
    idx = (p[:, 0] * WIDTH + p[:, 1] + 1.0).astype(jnp.int64 if jax.config.jax_enable_x64 else jnp.int32)
    out = jnp.take(positional_embeddings, idx, axis=1)
    return out

if __name__ == "__main__":
    import jax
    _d = setup_inputs()
    print(jax.jit(kernel)(*tuple(_d.values())))

</pallas_src>

<mosaic_0001>
#map = affine_map<(d0, d1) -> (0)>
#map1 = affine_map<(d0, d1) -> (0, 0)>
module attributes {stable_mosaic.version = 14 : i64} {
  func.func @_uv_pos_gather(%arg0: i32, %arg1: i32, %arg2: memref<262144xf32, #tpu.memory_space<hbm>>, %arg3: memref<262144xf32, #tpu.memory_space<hbm>>, %arg4: memref<4100x768xf32, #tpu.memory_space<hbm>>, %arg5: memref<262144x768xf32, #tpu.memory_space<hbm>>, %arg6: memref<8192xf32, #tpu.memory_space<vmem>>, %arg7: memref<8192xf32, #tpu.memory_space<vmem>>, %arg8: memref<8192xi32, #tpu.memory_space<vmem>>, %arg9: memref<4x32x768xf32, #tpu.memory_space<vmem>>, %arg10: memref<!tpu.dma_semaphore, #tpu.memory_space<semaphore_mem>>, %arg11: memref<!tpu.dma_semaphore, #tpu.memory_space<semaphore_mem>>, %arg12: memref<!tpu.dma_semaphore, #tpu.memory_space<semaphore_mem>>, %arg13: memref<!tpu.dma_semaphore, #tpu.memory_space<semaphore_mem>>, %arg14: memref<!tpu.dma_semaphore, #tpu.memory_space<semaphore_mem>>, %arg15: memref<!tpu.dma_semaphore, #tpu.memory_space<semaphore_mem>>, %arg16: memref<!tpu.dma_semaphore, #tpu.memory_space<semaphore_mem>>, %arg17: memref<!tpu.dma_semaphore, #tpu.memory_space<semaphore_mem>>) attributes {dimension_semantics = [#tpu.dimension_semantics<core_parallel>, #tpu.dimension_semantics<subcore_parallel>], iteration_bounds = array<i64: 2, 16>, scalar_prefetch = 0 : i64, scratch_operands = 12 : i64, tpu.core_type = #tpu.core_type<sc_vector_subcore>, window_params = [{transform_indices = #map}, {transform_indices = #map}, {transform_indices = #map1}, {transform_indices = #map1}]} {
    %mul3A = arith.constant 2 : i32
    %mul3A_0 = arith.muli %arg1, %mul3A : i32
    %add3A = arith.addi %mul3A_0, %arg0 : i32
    %mul3A_1 = arith.constant 8192 : i32
    %mul3A_2 = arith.muli %add3A, %mul3A_1 : i32
    "tpu.region"() ({
      %run_scoped3A = tpu.sem_alloc : memref<!tpu.dma_semaphore, #tpu.memory_space<semaphore_mem>>
      %dma_start3A_62 = tpu.memref_slice %arg2[%mul3A_2] : memref<262144xf32, #tpu.memory_space<hbm>> -> memref<8192xf32, #tpu.memory_space<hbm>>
      %dma_start3A_63 = tpu.memref_slice %arg2[%mul3A_2] : memref<262144xf32, #tpu.memory_space<hbm>> -> memref<8192xf32, #tpu.memory_space<hbm>>
      tpu.enqueue_dma source(%dma_start3A_63 : memref<8192xf32, #tpu.memory_space<hbm>>) target(%arg6 : memref<8192xf32, #tpu.memory_space<vmem>>) target_semaphore(%run_scoped3A : memref<!tpu.dma_semaphore, #tpu.memory_space<semaphore_mem>>)
      %dma_wait3A_64 = tpu.memref_slice %arg2[%mul3A_2] : memref<262144xf32, #tpu.memory_space<hbm>> -> memref<8192xf32, #tpu.memory_space<hbm>>
      %dma_wait3A_65 = tpu.memref_slice %arg2[%mul3A_2] : memref<262144xf32, #tpu.memory_space<hbm>> -> memref<8192xf32, #tpu.memory_space<hbm>>
      tpu.wait_dma2 semaphore(%run_scoped3A : memref<!tpu.dma_semaphore, #tpu.memory_space<semaphore_mem>>) src(%dma_wait3A_65 : memref<8192xf32, #tpu.memory_space<hbm>>) dst(%arg6 : memref<8192xf32, #tpu.memory_space<vmem>>)
      tpu.yield
    }) : () -> ()
    "tpu.region"() ({
      %run_scoped3A = tpu.sem_alloc : memref<!tpu.dma_semaphore, #tpu.memory_space<semaphore_mem>>
      %dma_start3A_62 = tpu.memref_slice %arg3[%mul3A_2] : memref<262144xf32, #tpu.memory_space<hbm>> -> memref<8192xf32, #tpu.memory_space<hbm>>
      %dma_start3A_63 = tpu.memref_slice %arg3[%mul3A_2] : memref<262144xf32, #tpu.memory_space<hbm>> -> memref<8192xf32, #tpu.memory_space<hbm>>
      tpu.enqueue_dma source(%dma_start3A_63 : memref<8192xf32, #tpu.memory_space<hbm>>) target(%arg7 : memref<8192xf32, #tpu.memory_space<vmem>>) target_semaphore(%run_scoped3A : memref<!tpu.dma_semaphore, #tpu.memory_space<semaphore_mem>>)
      %dma_wait3A_64 = tpu.memref_slice %arg3[%mul3A_2] : memref<262144xf32, #tpu.memory_space<hbm>> -> memref<8192xf32, #tpu.memory_space<hbm>>
      %dma_wait3A_65 = tpu.memref_slice %arg3[%mul3A_2] : memref<262144xf32, #tpu.memory_space<hbm>> -> memref<8192xf32, #tpu.memory_space<hbm>>
      tpu.wait_dma2 semaphore(%run_scoped3A : memref<!tpu.dma_semaphore, #tpu.memory_space<semaphore_mem>>) src(%dma_wait3A_65 : memref<8192xf32, #tpu.memory_space<hbm>>) dst(%arg7 : memref<8192xf32, #tpu.memory_space<vmem>>)
      tpu.yield
    }) : () -> ()
    %scan3A = arith.constant 0 : i32
    %scan3A_3 = arith.constant 0 : i32
    %scan3A_4 = arith.constant 512 : i32
    %scan3A_5 = arith.addi %scan3A_3, %scan3A_4 : i32
    %scan3A_6 = arith.constant 1 : i32
    scf.for %scan3A_62 = %scan3A_3 to %scan3A_5 step %scan3A_6  : i32 {
      %mul3A_63 = arith.constant 16 : i32
      %mul3A_64 = arith.muli %mul3A_63, %scan3A_62 : i32
      %get3A = arith.index_cast %mul3A_64 : i32 to index
      %get3A_65 = tpu.vector_load %arg6[%get3A] {strides = array<i32>} : memref<8192xf32, #tpu.memory_space<vmem>>, vector<16xf32>,
      %get3A_66 = vector.shape_cast %get3A_65 : vector<16xf32> to vector<16xf32>
      %mul3A_67 = arith.constant 16 : i32
      %mul3A_68 = arith.muli %mul3A_67, %scan3A_62 : i32
      %get3A_69 = arith.index_cast %mul3A_68 : i32 to index
      %get3A_70 = tpu.vector_load %arg7[%get3A_69] {strides = array<i32>} : memref<8192xf32, #tpu.memory_space<vmem>>, vector<16xf32>,
      %get3A_71 = vector.shape_cast %get3A_70 : vector<16xf32> to vector<16xf32>
      %mul3A_72 = arith.constant 3.200000e+01 : f32
      %mul3A_73 = vector.broadcast %mul3A_72 : f32 to vector<16xf32>
      %mul3A_74 = arith.mulf %get3A_66, %mul3A_73 : vector<16xf32>
      %convert_element_type3A = arith.fptosi %mul3A_74 : vector<16xf32> to vector<16xi32>
      %mul3A_75 = arith.constant 32 : i32
      %mul3A_76 = vector.broadcast %mul3A_75 : i32 to vector<16xi32>
      %mul3A_77 = arith.muli %convert_element_type3A, %mul3A_76 : vector<16xi32>
      %mul3A_78 = arith.constant 3.200000e+01 : f32
      %mul3A_79 = vector.broadcast %mul3A_78 : f32 to vector<16xf32>
      %mul3A_80 = arith.mulf %get3A_71, %mul3A_79 : vector<16xf32>
      %convert_element_type3A_81 = arith.fptosi %mul3A_80 : vector<16xf32> to vector<16xi32>
      %add3A_82 = arith.addi %mul3A_77, %convert_element_type3A_81 : vector<16xi32>
      %add3A_83 = arith.constant 1 : i32
      %add3A_84 = vector.broadcast %add3A_83 : i32 to vector<16xi32>
      %add3A_85 = arith.addi %add3A_82, %add3A_84 : vector<16xi32>
      %and3A = arith.constant 3 : i32
      %and3A_86 = arith.andi %scan3A_62, %and3A : i32
      %mul3A_87 = arith.constant 1025 : i32
      %mul3A_88 = arith.muli %mul3A_87, %and3A_86 : i32
      %add3A_89 = vector.broadcast %mul3A_88 : i32 to vector<16xi32>
      %add3A_90 = arith.addi %add3A_85, %add3A_89 : vector<16xi32>
      %mul3A_91 = arith.constant 16 : i32
      %mul3A_92 = arith.muli %mul3A_91, %scan3A_62 : i32
      %swap3A = arith.index_cast %mul3A_92 : i32 to index
      %swap3A_93 = tpu.vector_load %arg8[%swap3A] {strides = array<i32>} : memref<8192xi32, #tpu.memory_space<vmem>>, vector<16xi32>,
      %swap3A_94 = vector.shape_cast %swap3A_93 : vector<16xi32> to vector<16xi32>
      %swap3A_95 = vector.shape_cast %add3A_90 : vector<16xi32> to vector<16xi32>
      tpu.vector_store %arg8[%swap3A], %swap3A_95 {strides = array<i32>} : memref<8192xi32, #tpu.memory_space<vmem>>, vector<16xi32>,
    }
    %scan3A_7 = arith.constant 512 : i32
    %dma_start3A = arith.constant 0 : i32
    %dma_start3A_8 = arith.constant 0 : i32
    %dma_start3A_9 = arith.constant 0 : i32
    %dma_start3A_10 = tpu.memref_slice %arg9[%dma_start3A, %dma_start3A_8, %dma_start3A_9] : memref<4x32x768xf32, #tpu.memory_space<vmem>> -> memref<1x32x768xf32, #tpu.memory_space<vmem>>
    %dma_start3A_11 = tpu.memref_squeeze %dma_start3A_10 : memref<1x32x768xf32, #tpu.memory_space<vmem>> -> memref<32x768xf32, #tpu.memory_space<vmem>>
    %dma_start3A_12 = arith.constant 0 : i32
    %dma_start3A_13 = tpu.memref_slice %arg8[%dma_start3A_12] : memref<8192xi32, #tpu.memory_space<vmem>> -> memref<32xi32, #tpu.memory_space<vmem>>
    %dma_start3A_14 = arith.constant 0 : i32
    %dma_start3A_15 = arith.constant 0 : i32
    %dma_start3A_16 = tpu.memref_slice %arg4[%dma_start3A_14, %dma_start3A_15] : memref<4100x768xf32, #tpu.memory_space<hbm>> -> memref<4100x768xf32, #tpu.memory_space<hbm>>
    tpu.enqueue_indirect_dma source(%dma_start3A_16 : memref<4100x768xf32, #tpu.memory_space<hbm>>) target(%dma_start3A_11 : memref<32x768xf32, #tpu.memory_space<vmem>>) offsets(%dma_start3A_13 : memref<32xi32, #tpu.memory_space<vmem>>) semaphore(%arg10 : memref<!tpu.dma_semaphore, #tpu.memory_space<semaphore_mem>>)
    %dma_start3A_17 = arith.constant 1 : i32
    %dma_start3A_18 = arith.constant 0 : i32
    %dma_start3A_19 = arith.constant 0 : i32
    %dma_start3A_20 = tpu.memref_slice %arg9[%dma_start3A_17, %dma_start3A_18, %dma_start3A_19] : memref<4x32x768xf32, #tpu.memory_space<vmem>> -> memref<1x32x768xf32, #tpu.memory_space<vmem>>
    %dma_start3A_21 = tpu.memref_squeeze %dma_start3A_20 : memref<1x32x768xf32, #tpu.memory_space<vmem>> -> memref<32x768xf32, #tpu.memory_space<vmem>>
    %dma_start3A_22 = arith.constant 32 : i32
    %dma_start3A_23 = tpu.memref_slice %arg8[%dma_start3A_22] : memref<8192xi32, #tpu.memory_space<vmem>> -> memref<32xi32, #tpu.memory_space<vmem>>
    %dma_start3A_24 = arith.constant 0 : i32
    %dma_start3A_25 = arith.constant 0 : i32
    %dma_start3A_26 = tpu.memref_slice %arg4[%dma_start3A_24, %dma_start3A_25] : memref<4100x768xf32, #tpu.memory_space<hbm>> -> memref<4100x768xf32, #tpu.memory_space<hbm>>
    tpu.enqueue_indirect_dma source(%dma_start3A_26 : memref<4100x768xf32, #tpu.memory_space<hbm>>) target(%dma_start3A_21 : memref<32x768xf32, #tpu.memory_space<vmem>>) offsets(%dma_start3A_23 : memref<32xi32, #tpu.memory_space<vmem>>) semaphore(%arg11 : memref<!tpu.dma_semaphore, #tpu.memory_space<semaphore_mem>>)
    %scan3A_27 = arith.constant 0 : i32
    %scan3A_28 = arith.constant 0 : i32
    %scan3A_29 = arith.constant 64 : i32
    %scan3A_30 = arith.addi %scan3A_28, %scan3A_29 : i32
    %scan3A_31 = arith.constant 1 : i32
    scf.for %scan3A_62 = %scan3A_28 to %scan3A_30 step %scan3A_31  : i32 {
      %mul3A_63 = arith.constant 4 : i32
      %mul3A_64 = arith.muli %mul3A_63, %scan3A_62 : i32
      %add3A_65 = arith.constant 0 : i32
      %add3A_66 = arith.addi %mul3A_64, %add3A_65 : i32
      %mul3A_67 = arith.constant 32 : i32
      %mul3A_68 = arith.muli %add3A_66, %mul3A_67 : i32
      %dma_wait3A_69 = arith.constant 0 : i32
      %dma_wait3A_70 = arith.constant 0 : i32
      %dma_wait3A_71 = arith.constant 0 : i32
      %dma_wait3A_72 = tpu.memref_slice %arg9[%dma_wait3A_69, %dma_wait3A_70, %dma_wait3A_71] : memref<4x32x768xf32, #tpu.memory_space<vmem>> -> memref<1x32x768xf32, #tpu.memory_space<vmem>>
      %dma_wait3A_73 = tpu.memref_squeeze %dma_wait3A_72 : memref<1x32x768xf32, #tpu.memory_space<vmem>> -> memref<32x768xf32, #tpu.memory_space<vmem>>
      %dma_wait3A_74 = tpu.memref_slice %arg8[%mul3A_68] : memref<8192xi32, #tpu.memory_space<vmem>> -> memref<32xi32, #tpu.memory_space<vmem>>
      %dma_wait3A_75 = arith.constant 0 : i32
      %dma_wait3A_76 = arith.constant 0 : i32
      %dma_wait3A_77 = tpu.memref_slice %arg4[%dma_wait3A_75, %dma_wait3A_76] : memref<4100x768xf32, #tpu.memory_space<hbm>> -> memref<4100x768xf32, #tpu.memory_space<hbm>>
      tpu.wait_indirect_dma semaphore(%arg10 : memref<!tpu.dma_semaphore, #tpu.memory_space<semaphore_mem>>) src(%dma_wait3A_77 : memref<4100x768xf32, #tpu.memory_space<hbm>>) dst(%dma_wait3A_73 : memref<32x768xf32, #tpu.memory_space<vmem>>)
      %ge3A = arith.constant 2 : i32
      %ge3A_78 = arith.cmpi sge, %add3A_66, %ge3A : i32
      %convert_element_type3A = arith.extui %ge3A_78 : i1 to i32
      %cond3A = arith.constant 0 : i32
      %cond3A_79 = arith.cmpi ne, %convert_element_type3A, %cond3A : i32
      scf.if %cond3A_79 {
        %sub3A = arith.constant 2 : i32
        %sub3A_231 = arith.subi %add3A_66, %sub3A : i32
        %mul3A_232 = arith.constant 32 : i32
        %mul3A_233 = arith.muli %sub3A_231, %mul3A_232 : i32
        %add3A_234 = arith.addi %mul3A_2, %mul3A_233 : i32
        %dma_wait3A_235 = arith.constant 2 : i32
        %dma_wait3A_236 = arith.constant 0 : i32
        %dma_wait3A_237 = arith.constant 0 : i32
        %dma_wait3A_238 = tpu.memref_slice %arg9[%dma_wait3A_235, %dma_wait3A_236, %dma_wait3A_237] : memref<4x32x768xf32, #tpu.memory_space<vmem>> -> memref<1x32x768xf32, #tpu.memory_space<vmem>>
        %dma_wait3A_239 = tpu.memref_squeeze %dma_wait3A_238 : memref<1x32x768xf32, #tpu.memory_space<vmem>> -> memref<32x768xf32, #tpu.memory_space<vmem>>
        %dma_wait3A_240 = arith.constant 0 : i32
        %dma_wait3A_241 = tpu.memref_slice %arg5[%add3A_234, %dma_wait3A_240] : memref<262144x768xf32, #tpu.memory_space<hbm>> -> memref<32x768xf32, #tpu.memory_space<hbm>>
        %dma_wait3A_242 = arith.constant 0 : i32
        %dma_wait3A_243 = tpu.memref_slice %arg5[%add3A_234, %dma_wait3A_242] : memref<262144x768xf32, #tpu.memory_space<hbm>> -> memref<32x768xf32, #tpu.memory_space<hbm>>
        %dma_wait3A_244 = arith.constant 0 : i32
        %dma_wait3A_245 = arith.constant 0 : i32
        %dma_wait3A_246 = tpu.memref_slice %arg9[%dma_wait3A_235, %dma_wait3A_244, %dma_wait3A_245] : memref<4x32x768xf32, #tpu.memory_space<vmem>> -> memref<1x32x768xf32, #tpu.memory_space<vmem>>
        %dma_wait3A_247 = tpu.memref_squeeze %dma_wait3A_246 : memref<1x32x768xf32, #tpu.memory_space<vmem>> -> memref<32x768xf32, #tpu.memory_space<vmem>>
        tpu.wait_dma2 semaphore(%arg16 : memref<!tpu.dma_semaphore, #tpu.memory_space<semaphore_mem>>) src(%dma_wait3A_247 : memref<32x768xf32, #tpu.memory_space<vmem>>) dst(%dma_wait3A_243 : memref<32x768xf32, #tpu.memory_space<hbm>>)
      } else {
      }
      %add3A_80 = arith.constant 2 : i32
      %add3A_81 = arith.addi %add3A_66, %add3A_80 : i32
      %lt3A = arith.constant 256 : i32
      %lt3A_82 = arith.cmpi slt, %add3A_81, %lt3A : i32
      %convert_element_type3A_83 = arith.extui %lt3A_82 : i1 to i32
      %cond3A_84 = arith.constant 0 : i32
      %cond3A_85 = arith.cmpi ne, %convert_element_type3A_83, %cond3A_84 : i32
      scf.if %cond3A_85 {
        %add3A_231 = arith.constant 2 : i32
        %add3A_232 = arith.addi %add3A_66, %add3A_231 : i32
        %mul3A_233 = arith.constant 32 : i32
        %mul3A_234 = arith.muli %add3A_232, %mul3A_233 : i32
        %dma_start3A_235 = arith.constant 2 : i32
        %dma_start3A_236 = arith.constant 0 : i32
        %dma_start3A_237 = arith.constant 0 : i32
        %dma_start3A_238 = tpu.memref_slice %arg9[%dma_start3A_235, %dma_start3A_236, %dma_start3A_237] : memref<4x32x768xf32, #tpu.memory_space<vmem>> -> memref<1x32x768xf32, #tpu.memory_space<vmem>>
        %dma_start3A_239 = tpu.memref_squeeze %dma_start3A_238 : memref<1x32x768xf32, #tpu.memory_space<vmem>> -> memref<32x768xf32, #tpu.memory_space<vmem>>
        %dma_start3A_240 = tpu.memref_slice %arg8[%mul3A_234] : memref<8192xi32, #tpu.memory_space<vmem>> -> memref<32xi32, #tpu.memory_space<vmem>>
        %dma_start3A_241 = arith.constant 0 : i32
        %dma_start3A_242 = arith.constant 0 : i32
        %dma_start3A_243 = tpu.memref_slice %arg4[%dma_start3A_241, %dma_start3A_242] : memref<4100x768xf32, #tpu.memory_space<hbm>> -> memref<4100x768xf32, #tpu.memory_space<hbm>>
        tpu.enqueue_indirect_dma source(%dma_start3A_243 : memref<4100x768xf32, #tpu.memory_space<hbm>>) target(%dma_start3A_239 : memref<32x768xf32, #tpu.memory_space<vmem>>) offsets(%dma_start3A_240 : memref<32xi32, #tpu.memory_space<vmem>>) semaphore(%arg12 : memref<!tpu.dma_semaphore, #tpu.memory_space<semaphore_mem>>)
      } else {
      }
      %mul3A_86 = arith.constant 32 : i32
      %mul3A_87 = arith.muli %add3A_66, %mul3A_86 : i32
      %add3A_88 = arith.addi %mul3A_2, %mul3A_87 : i32
      %dma_start3A_89 = arith.constant 0 : i32
      %dma_start3A_90 = arith.constant 0 : i32
      %dma_start3A_91 = arith.constant 0 : i32
      %dma_start3A_92 = tpu.memref_slice %arg9[%dma_start3A_89, %dma_start3A_90, %dma_start3A_91] : memref<4x32x768xf32, #tpu.memory_space<vmem>> -> memref<1x32x768xf32, #tpu.memory_space<vmem>>
      %dma_start3A_93 = tpu.memref_squeeze %dma_start3A_92 : memref<1x32x768xf32, #tpu.memory_space<vmem>> -> memref<32x768xf32, #tpu.memory_space<vmem>>
      %dma_start3A_94 = arith.constant 0 : i32
      %dma_start3A_95 = tpu.memref_slice %arg5[%add3A_88, %dma_start3A_94] : memref<262144x768xf32, #tpu.memory_space<hbm>> -> memref<32x768xf32, #tpu.memory_space<hbm>>
      %dma_start3A_96 = arith.constant 0 : i32
      %dma_start3A_97 = tpu.memref_slice %arg5[%add3A_88, %dma_start3A_96] : memref<262144x768xf32, #tpu.memory_space<hbm>> -> memref<32x768xf32, #tpu.memory_space<hbm>>
      %dma_start3A_98 = arith.constant 0 : i32
      %dma_start3A_99 = arith.constant 0 : i32
      %dma_start3A_100 = tpu.memref_slice %arg9[%dma_start3A_89, %dma_start3A_98, %dma_start3A_99] : memref<4x32x768xf32, #tpu.memory_space<vmem>> -> memref<1x32x768xf32, #tpu.memory_space<vmem>>
      %dma_start3A_101 = tpu.memref_squeeze %dma_start3A_100 : memref<1x32x768xf32, #tpu.memory_space<vmem>> -> memref<32x768xf32, #tpu.memory_space<vmem>>
      tpu.enqueue_dma source(%dma_start3A_101 : memref<32x768xf32, #tpu.memory_space<vmem>>) target(%dma_start3A_97 : memref<32x768xf32, #tpu.memory_space<hbm>>) target_semaphore(%arg14 : memref<!tpu.dma_semaphore, #tpu.memory_space<semaphore_mem>>)
      %mul3A_102 = arith.constant 4 : i32
      %mul3A_103 = arith.muli %mul3A_102, %scan3A_62 : i32
      %add3A_104 = arith.constant 1 : i32
      %add3A_105 = arith.addi %mul3A_103, %add3A_104 : i32
      %mul3A_106 = arith.constant 32 : i32
      %mul3A_107 = arith.muli %add3A_105, %mul3A_106 : i32
      %dma_wait3A_108 = arith.constant 1 : i32
      %dma_wait3A_109 = arith.constant 0 : i32
      %dma_wait3A_110 = arith.constant 0 : i32
      %dma_wait3A_111 = tpu.memref_slice %arg9[%dma_wait3A_108, %dma_wait3A_109, %dma_wait3A_110] : memref<4x32x768xf32, #tpu.memory_space<vmem>> -> memref<1x32x768xf32, #tpu.memory_space<vmem>>
      %dma_wait3A_112 = tpu.memref_squeeze %dma_wait3A_111 : memref<1x32x768xf32, #tpu.memory_space<vmem>> -> memref<32x768xf32, #tpu.memory_space<vmem>>
      %dma_wait3A_113 = tpu.memref_slice %arg8[%mul3A_107] : memref<8192xi32, #tpu.memory_space<vmem>> -> memref<32xi32, #tpu.memory_space<vmem>>
      %dma_wait3A_114 = arith.constant 0 : i32
      %dma_wait3A_115 = arith.constant 0 : i32
      %dma_wait3A_116 = tpu.memref_slice %arg4[%dma_wait3A_114, %dma_wait3A_115] : memref<4100x768xf32, #tpu.memory_space<hbm>> -> memref<4100x768xf32, #tpu.memory_space<hbm>>
      tpu.wait_indirect_dma semaphore(%arg11 : memref<!tpu.dma_semaphore, #tpu.memory_space<semaphore_mem>>) src(%dma_wait3A_116 : memref<4100x768xf32, #tpu.memory_space<hbm>>) dst(%dma_wait3A_112 : memref<32x768xf32, #tpu.memory_space<vmem>>)
      %ge3A_117 = arith.constant 2 : i32
      %ge3A_118 = arith.cmpi sge, %add3A_105, %ge3A_117 : i32
      %convert_element_type3A_119 = arith.extui %ge3A_118 : i1 to i32
      %cond3A_120 = arith.constant 0 : i32
      %cond3A_121 = arith.cmpi ne, %convert_element_type3A_119, %cond3A_120 : i32
      scf.if %cond3A_121 {
        %sub3A = arith.constant 2 : i32
        %sub3A_231 = arith.subi %add3A_105, %sub3A : i32
        %mul3A_232 = arith.constant 32 : i32
        %mul3A_233 = arith.muli %sub3A_231, %mul3A_232 : i32
        %add3A_234 = arith.addi %mul3A_2, %mul3A_233 : i32
        %dma_wait3A_235 = arith.constant 3 : i32
        %dma_wait3A_236 = arith.constant 0 : i32
        %dma_wait3A_237 = arith.constant 0 : i32
        %dma_wait3A_238 = tpu.memref_slice %arg9[%dma_wait3A_235, %dma_wait3A_236, %dma_wait3A_237] : memref<4x32x768xf32, #tpu.memory_space<vmem>> -> memref<1x32x768xf32, #tpu.memory_space<vmem>>
        %dma_wait3A_239 = tpu.memref_squeeze %dma_wait3A_238 : memref<1x32x768xf32, #tpu.memory_space<vmem>> -> memref<32x768xf32, #tpu.memory_space<vmem>>
        %dma_wait3A_240 = arith.constant 0 : i32
        %dma_wait3A_241 = tpu.memref_slice %arg5[%add3A_234, %dma_wait3A_240] : memref<262144x768xf32, #tpu.memory_space<hbm>> -> memref<32x768xf32, #tpu.memory_space<hbm>>
        %dma_wait3A_242 = arith.constant 0 : i32
        %dma_wait3A_243 = tpu.memref_slice %arg5[%add3A_234, %dma_wait3A_242] : memref<262144x768xf32, #tpu.memory_space<hbm>> -> memref<32x768xf32, #tpu.memory_space<hbm>>
        %dma_wait3A_244 = arith.constant 0 : i32
        %dma_wait3A_245 = arith.constant 0 : i32
        %dma_wait3A_246 = tpu.memref_slice %arg9[%dma_wait3A_235, %dma_wait3A_244, %dma_wait3A_245] : memref<4x32x768xf32, #tpu.memory_space<vmem>> -> memref<1x32x768xf32, #tpu.memory_space<vmem>>
        %dma_wait3A_247 = tpu.memref_squeeze %dma_wait3A_246 : memref<1x32x768xf32, #tpu.memory_space<vmem>> -> memref<32x768xf32, #tpu.memory_space<vmem>>
        tpu.wait_dma2 semaphore(%arg17 : memref<!tpu.dma_semaphore, #tpu.memory_space<semaphore_mem>>) src(%dma_wait3A_247 : memref<32x768xf32, #tpu.memory_space<vmem>>) dst(%dma_wait3A_243 : memref<32x768xf32, #tpu.memory_space<hbm>>)
      } else {
      }
      %add3A_122 = arith.constant 2 : i32
      %add3A_123 = arith.addi %add3A_105, %add3A_122 : i32
      %lt3A_124 = arith.constant 256 : i32
      %lt3A_125 = arith.cmpi slt, %add3A_123, %lt3A_124 : i32
      %convert_element_type3A_126 = arith.extui %lt3A_125 : i1 to i32
      %cond3A_127 = arith.constant 0 : i32
      %cond3A_128 = arith.cmpi ne, %convert_element_type3A_126, %cond3A_127 : i32
      scf.if %cond3A_128 {
        %add3A_231 = arith.constant 2 : i32
        %add3A_232 = arith.addi %add3A_105, %add3A_231 : i32
        %mul3A_233 = arith.constant 32 : i32
        %mul3A_234 = arith.muli %add3A_232, %mul3A_233 : i32
        %dma_start3A_235 = arith.constant 3 : i32
        %dma_start3A_236 = arith.constant 0 : i32
        %dma_start3A_237 = arith.constant 0 : i32
        %dma_start3A_238 = tpu.memref_slice %arg9[%dma_start3A_235, %dma_start3A_236, %dma_start3A_237] : memref<4x32x768xf32, #tpu.memory_space<vmem>> -> memref<1x32x768xf32, #tpu.memory_space<vmem>>
        %dma_start3A_239 = tpu.memref_squeeze %dma_start3A_238 : memref<1x32x768xf32, #tpu.memory_space<vmem>> -> memref<32x768xf32, #tpu.memory_space<vmem>>
        %dma_start3A_240 = tpu.memref_slice %arg8[%mul3A_234] : memref<8192xi32, #tpu.memory_space<vmem>> -> memref<32xi32, #tpu.memory_space<vmem>>
        %dma_start3A_241 = arith.constant 0 : i32
        %dma_start3A_242 = arith.constant 0 : i32
        %dma_start3A_243 = tpu.memref_slice %arg4[%dma_start3A_241, %dma_start3A_242] : memref<4100x768xf32, #tpu.memory_space<hbm>> -> memref<4100x768xf32, #tpu.memory_space<hbm>>
        tpu.enqueue_indirect_dma source(%dma_start3A_243 : memref<4100x768xf32, #tpu.memory_space<hbm>>) target(%dma_start3A_239 : memref<32x768xf32, #tpu.memory_space<vmem>>) offsets(%dma_start3A_240 : memref<32xi32, #tpu.memory_space<vmem>>) semaphore(%arg13 : memref<!tpu.dma_semaphore, #tpu.memory_space<semaphore_mem>>)
      } else {
      }
      %mul3A_129 = arith.constant 32 : i32
      %mul3A_130 = arith.muli %add3A_105, %mul3A_129 : i32
      %add3A_131 = arith.addi %mul3A_2, %mul3A_130 : i32
      %dma_start3A_132 = arith.constant 1 : i32
      %dma_start3A_133 = arith.constant 0 : i32
      %dma_start3A_134 = arith.constant 0 : i32
      %dma_start3A_135 = tpu.memref_slice %arg9[%dma_start3A_132, %dma_start3A_133, %dma_start3A_134] : memref<4x32x768xf32, #tpu.memory_space<vmem>> -> memref<1x32x768xf32, #tpu.memory_space<vmem>>
      %dma_start3A_136 = tpu.memref_squeeze %dma_start3A_135 : memref<1x32x768xf32, #tpu.memory_space<vmem>> -> memref<32x768xf32, #tpu.memory_space<vmem>>
      %dma_start3A_137 = arith.constant 0 : i32
      %dma_start3A_138 = tpu.memref_slice %arg5[%add3A_131, %dma_start3A_137] : memref<262144x768xf32, #tpu.memory_space<hbm>> -> memref<32x768xf32, #tpu.memory_space<hbm>>
      %dma_start3A_139 = arith.constant 0 : i32
      %dma_start3A_140 = tpu.memref_slice %arg5[%add3A_131, %dma_start3A_139] : memref<262144x768xf32, #tpu.memory_space<hbm>> -> memref<32x768xf32, #tpu.memory_space<hbm>>
      %dma_start3A_141 = arith.constant 0 : i32
      %dma_start3A_142 = arith.constant 0 : i32
      %dma_start3A_143 = tpu.memref_slice %arg9[%dma_start3A_132, %dma_start3A_141, %dma_start3A_142] : memref<4x32x768xf32, #tpu.memory_space<vmem>> -> memref<1x32x768xf32, #tpu.memory_space<vmem>>
      %dma_start3A_144 = tpu.memref_squeeze %dma_start3A_143 : memref<1x32x768xf32, #tpu.memory_space<vmem>> -> memref<32x768xf32, #tpu.memory_space<vmem>>
      tpu.enqueue_dma source(%dma_start3A_144 : memref<32x768xf32, #tpu.memory_space<vmem>>) target(%dma_start3A_140 : memref<32x768xf32, #tpu.memory_space<hbm>>) target_semaphore(%arg15 : memref<!tpu.dma_semaphore, #tpu.memory_space<semaphore_mem>>)
      %mul3A_145 = arith.constant 4 : i32
      %mul3A_146 = arith.muli %mul3A_145, %scan3A_62 : i32
      %add3A_147 = arith.constant 2 : i32
      %add3A_148 = arith.addi %mul3A_146, %add3A_147 : i32
      %mul3A_149 = arith.constant 32 : i32
      %mul3A_150 = arith.muli %add3A_148, %mul3A_149 : i32
      %dma_wait3A_151 = arith.constant 2 : i32
      %dma_wait3A_152 = arith.constant 0 : i32
      %dma_wait3A_153 = arith.constant 0 : i32
      %dma_wait3A_154 = tpu.memref_slice %arg9[%dma_wait3A_151, %dma_wait3A_152, %dma_wait3A_153] : memref<4x32x768xf32, #tpu.memory_space<vmem>> -> memref<1x32x768xf32, #tpu.memory_space<vmem>>
      %dma_wait3A_155 = tpu.memref_squeeze %dma_wait3A_154 : memref<1x32x768xf32, #tpu.memory_space<vmem>> -> memref<32x768xf32, #tpu.memory_space<vmem>>
      %dma_wait3A_156 = tpu.memref_slice %arg8[%mul3A_150] : memref<8192xi32, #tpu.memory_space<vmem>> -> memref<32xi32, #tpu.memory_space<vmem>>
      %dma_wait3A_157 = arith.constant 0 : i32
      %dma_wait3A_158 = arith.constant 0 : i32
      %dma_wait3A_159 = tpu.memref_slice %arg4[%dma_wait3A_157, %dma_wait3A_158] : memref<4100x768xf32, #tpu.memory_space<hbm>> -> memref<4100x768xf32, #tpu.memory_space<hbm>>
      tpu.wait_indirect_dma semaphore(%arg12 : memref<!tpu.dma_semaphore, #tpu.memory_space<semaphore_mem>>) src(%dma_wait3A_159 : memref<4100x768xf32, #tpu.memory_space<hbm>>) dst(%dma_wait3A_155 : memref<32x768xf32, #tpu.memory_space<vmem>>)
      %ge3A_160 = arith.constant 2 : i32
      %ge3A_161 = arith.cmpi sge, %add3A_148, %ge3A_160 : i32
      %convert_element_type3A_162 = arith.extui %ge3A_161 : i1 to i32
      %cond3A_163 = arith.constant 0 : i32
      %cond3A_164 = arith.cmpi ne, %convert_element_type3A_162, %cond3A_163 : i32
      scf.if %cond3A_164 {
        %sub3A = arith.constant 2 : i32
        %sub3A_231 = arith.subi %add3A_148, %sub3A : i32
        %mul3A_232 = arith.constant 32 : i32
        %mul3A_233 = arith.muli %sub3A_231, %mul3A_232 : i32
        %add3A_234 = arith.addi %mul3A_2, %mul3A_233 : i32
        %dma_wait3A_235 = arith.constant 0 : i32
        %dma_wait3A_236 = arith.constant 0 : i32
        %dma_wait3A_237 = arith.constant 0 : i32
        %dma_wait3A_238 = tpu.memref_slice %arg9[%dma_wait3A_235, %dma_wait3A_236, %dma_wait3A_237] : memref<4x32x768xf32, #tpu.memory_space<vmem>> -> memref<1x32x768xf32, #tpu.memory_space<vmem>>
        %dma_wait3A_239 = tpu.memref_squeeze %dma_wait3A_238 : memref<1x32x768xf32, #tpu.memory_space<vmem>> -> memref<32x768xf32, #tpu.memory_space<vmem>>
        %dma_wait3A_240 = arith.constant 0 : i32
        %dma_wait3A_241 = tpu.memref_slice %arg5[%add3A_234, %dma_wait3A_240] : memref<262144x768xf32, #tpu.memory_space<hbm>> -> memref<32x768xf32, #tpu.memory_space<hbm>>
        %dma_wait3A_242 = arith.constant 0 : i32
        %dma_wait3A_243 = tpu.memref_slice %arg5[%add3A_234, %dma_wait3A_242] : memref<262144x768xf32, #tpu.memory_space<hbm>> -> memref<32x768xf32, #tpu.memory_space<hbm>>
        %dma_wait3A_244 = arith.constant 0 : i32
        %dma_wait3A_245 = arith.constant 0 : i32
        %dma_wait3A_246 = tpu.memref_slice %arg9[%dma_wait3A_235, %dma_wait3A_244, %dma_wait3A_245] : memref<4x32x768xf32, #tpu.memory_space<vmem>> -> memref<1x32x768xf32, #tpu.memory_space<vmem>>
        %dma_wait3A_247 = tpu.memref_squeeze %dma_wait3A_246 : memref<1x32x768xf32, #tpu.memory_space<vmem>> -> memref<32x768xf32, #tpu.memory_space<vmem>>
        tpu.wait_dma2 semaphore(%arg14 : memref<!tpu.dma_semaphore, #tpu.memory_space<semaphore_mem>>) src(%dma_wait3A_247 : memref<32x768xf32, #tpu.memory_space<vmem>>) dst(%dma_wait3A_243 : memref<32x768xf32, #tpu.memory_space<hbm>>)
      } else {
      }
      %add3A_165 = arith.constant 2 : i32
      %add3A_166 = arith.addi %add3A_148, %add3A_165 : i32
      %lt3A_167 = arith.constant 256 : i32
      %lt3A_168 = arith.cmpi slt, %add3A_166, %lt3A_167 : i32
      %convert_element_type3A_169 = arith.extui %lt3A_168 : i1 to i32
      %cond3A_170 = arith.constant 0 : i32
      %cond3A_171 = arith.cmpi ne, %convert_element_type3A_169, %cond3A_170 : i32
      scf.if %cond3A_171 {
        %add3A_231 = arith.constant 2 : i32
        %add3A_232 = arith.addi %add3A_148, %add3A_231 : i32
        %mul3A_233 = arith.constant 32 : i32
        %mul3A_234 = arith.muli %add3A_232, %mul3A_233 : i32
        %dma_start3A_235 = arith.constant 0 : i32
        %dma_start3A_236 = arith.constant 0 : i32
        %dma_start3A_237 = arith.constant 0 : i32
        %dma_start3A_238 = tpu.memref_slice %arg9[%dma_start3A_235, %dma_start3A_236, %dma_start3A_237] : memref<4x32x768xf32, #tpu.memory_space<vmem>> -> memref<1x32x768xf32, #tpu.memory_space<vmem>>
        %dma_start3A_239 = tpu.memref_squeeze %dma_start3A_238 : memref<1x32x768xf32, #tpu.memory_space<vmem>> -> memref<32x768xf32, #tpu.memory_space<vmem>>
        %dma_start3A_240 = tpu.memref_slice %arg8[%mul3A_234] : memref<8192xi32, #tpu.memory_space<vmem>> -> memref<32xi32, #tpu.memory_space<vmem>>
        %dma_start3A_241 = arith.constant 0 : i32
        %dma_start3A_242 = arith.constant 0 : i32
        %dma_start3A_243 = tpu.memref_slice %arg4[%dma_start3A_241, %dma_start3A_242] : memref<4100x768xf32, #tpu.memory_space<hbm>> -> memref<4100x768xf32, #tpu.memory_space<hbm>>
        tpu.enqueue_indirect_dma source(%dma_start3A_243 : memref<4100x768xf32, #tpu.memory_space<hbm>>) target(%dma_start3A_239 : memref<32x768xf32, #tpu.memory_space<vmem>>) offsets(%dma_start3A_240 : memref<32xi32, #tpu.memory_space<vmem>>) semaphore(%arg10 : memref<!tpu.dma_semaphore, #tpu.memory_space<semaphore_mem>>)
      } else {
      }
      %mul3A_172 = arith.constant 32 : i32
      %mul3A_173 = arith.muli %add3A_148, %mul3A_172 : i32
      %add3A_174 = arith.addi %mul3A_2, %mul3A_173 : i32
      %dma_start3A_175 = arith.constant 2 : i32
      %dma_start3A_176 = arith.constant 0 : i32
      %dma_start3A_177 = arith.constant 0 : i32
      %dma_start3A_178 = tpu.memref_slice %arg9[%dma_start3A_175, %dma_start3A_176, %dma_start3A_177] : memref<4x32x768xf32, #tpu.memory_space<vmem>> -> memref<1x32x768xf32, #tpu.memory_space<vmem>>
      %dma_start3A_179 = tpu.memref_squeeze %dma_start3A_178 : memref<1x32x768xf32, #tpu.memory_space<vmem>> -> memref<32x768xf32, #tpu.memory_space<vmem>>
      %dma_start3A_180 = arith.constant 0 : i32
      %dma_start3A_181 = tpu.memref_slice %arg5[%add3A_174, %dma_start3A_180] : memref<262144x768xf32, #tpu.memory_space<hbm>> -> memref<32x768xf32, #tpu.memory_space<hbm>>
      %dma_start3A_182 = arith.constant 0 : i32
      %dma_start3A_183 = tpu.memref_slice %arg5[%add3A_174, %dma_start3A_182] : memref<262144x768xf32, #tpu.memory_space<hbm>> -> memref<32x768xf32, #tpu.memory_space<hbm>>
      %dma_start3A_184 = arith.constant 0 : i32
      %dma_start3A_185 = arith.constant 0 : i32
      %dma_start3A_186 = tpu.memref_slice %arg9[%dma_start3A_175, %dma_start3A_184, %dma_start3A_185] : memref<4x32x768xf32, #tpu.memory_space<vmem>> -> memref<1x32x768xf32, #tpu.memory_space<vmem>>
      %dma_start3A_187 = tpu.memref_squeeze %dma_start3A_186 : memref<1x32x768xf32, #tpu.memory_space<vmem>> -> memref<32x768xf32, #tpu.memory_space<vmem>>
      tpu.enqueue_dma source(%dma_start3A_187 : memref<32x768xf32, #tpu.memory_space<vmem>>) target(%dma_start3A_183 : memref<32x768xf32, #tpu.memory_space<hbm>>) target_semaphore(%arg16 : memref<!tpu.dma_semaphore, #tpu.memory_space<semaphore_mem>>)
      %mul3A_188 = arith.constant 4 : i32
      %mul3A_189 = arith.muli %mul3A_188, %scan3A_62 : i32
      %add3A_190 = arith.constant 3 : i32
      %add3A_191 = arith.addi %mul3A_189, %add3A_190 : i32
      %mul3A_192 = arith.constant 32 : i32
      %mul3A_193 = arith.muli %add3A_191, %mul3A_192 : i32
      %dma_wait3A_194 = arith.constant 3 : i32
      %dma_wait3A_195 = arith.constant 0 : i32
      %dma_wait3A_196 = arith.constant 0 : i32
      %dma_wait3A_197 = tpu.memref_slice %arg9[%dma_wait3A_194, %dma_wait3A_195, %dma_wait3A_196] : memref<4x32x768xf32, #tpu.memory_space<vmem>> -> memref<1x32x768xf32, #tpu.memory_space<vmem>>
      %dma_wait3A_198 = tpu.memref_squeeze %dma_wait3A_197 : memref<1x32x768xf32, #tpu.memory_space<vmem>> -> memref<32x768xf32, #tpu.memory_space<vmem>>
      %dma_wait3A_199 = tpu.memref_slice %arg8[%mul3A_193] : memref<8192xi32, #tpu.memory_space<vmem>> -> memref<32xi32, #tpu.memory_space<vmem>>
      %dma_wait3A_200 = arith.constant 0 : i32
      %dma_wait3A_201 = arith.constant 0 : i32
      %dma_wait3A_202 = tpu.memref_slice %arg4[%dma_wait3A_200, %dma_wait3A_201] : memref<4100x768xf32, #tpu.memory_space<hbm>> -> memref<4100x768xf32, #tpu.memory_space<hbm>>
      tpu.wait_indirect_dma semaphore(%arg13 : memref<!tpu.dma_semaphore, #tpu.memory_space<semaphore_mem>>) src(%dma_wait3A_202 : memref<4100x768xf32, #tpu.memory_space<hbm>>) dst(%dma_wait3A_198 : memref<32x768xf32, #tpu.memory_space<vmem>>)
      %ge3A_203 = arith.constant 2 : i32
      %ge3A_204 = arith.cmpi sge, %add3A_191, %ge3A_203 : i32
      %convert_element_type3A_205 = arith.extui %ge3A_204 : i1 to i32
      %cond3A_206 = arith.constant 0 : i32
      %cond3A_207 = arith.cmpi ne, %convert_element_type3A_205, %cond3A_206 : i32
      scf.if %cond3A_207 {
        %sub3A = arith.constant 2 : i32
        %sub3A_231 = arith.subi %add3A_191, %sub3A : i32
        %mul3A_232 = arith.constant 32 : i32
        %mul3A_233 = arith.muli %sub3A_231, %mul3A_232 : i32
        %add3A_234 = arith.addi %mul3A_2, %mul3A_233 : i32
        %dma_wait3A_235 = arith.constant 1 : i32
        %dma_wait3A_236 = arith.constant 0 : i32
        %dma_wait3A_237 = arith.constant 0 : i32
        %dma_wait3A_238 = tpu.memref_slice %arg9[%dma_wait3A_235, %dma_wait3A_236, %dma_wait3A_237] : memref<4x32x768xf32, #tpu.memory_space<vmem>> -> memref<1x32x768xf32, #tpu.memory_space<vmem>>
        %dma_wait3A_239 = tpu.memref_squeeze %dma_wait3A_238 : memref<1x32x768xf32, #tpu.memory_space<vmem>> -> memref<32x768xf32, #tpu.memory_space<vmem>>
        %dma_wait3A_240 = arith.constant 0 : i32
        %dma_wait3A_241 = tpu.memref_slice %arg5[%add3A_234, %dma_wait3A_240] : memref<262144x768xf32, #tpu.memory_space<hbm>> -> memref<32x768xf32, #tpu.memory_space<hbm>>
        %dma_wait3A_242 = arith.constant 0 : i32
        %dma_wait3A_243 = tpu.memref_slice %arg5[%add3A_234, %dma_wait3A_242] : memref<262144x768xf32, #tpu.memory_space<hbm>> -> memref<32x768xf32, #tpu.memory_space<hbm>>
        %dma_wait3A_244 = arith.constant 0 : i32
        %dma_wait3A_245 = arith.constant 0 : i32
        %dma_wait3A_246 = tpu.memref_slice %arg9[%dma_wait3A_235, %dma_wait3A_244, %dma_wait3A_245] : memref<4x32x768xf32, #tpu.memory_space<vmem>> -> memref<1x32x768xf32, #tpu.memory_space<vmem>>
        %dma_wait3A_247 = tpu.memref_squeeze %dma_wait3A_246 : memref<1x32x768xf32, #tpu.memory_space<vmem>> -> memref<32x768xf32, #tpu.memory_space<vmem>>
        tpu.wait_dma2 semaphore(%arg15 : memref<!tpu.dma_semaphore, #tpu.memory_space<semaphore_mem>>) src(%dma_wait3A_247 : memref<32x768xf32, #tpu.memory_space<vmem>>) dst(%dma_wait3A_243 : memref<32x768xf32, #tpu.memory_space<hbm>>)
      } else {
      }
      %add3A_208 = arith.constant 2 : i32
      %add3A_209 = arith.addi %add3A_191, %add3A_208 : i32
      %lt3A_210 = arith.constant 256 : i32
      %lt3A_211 = arith.cmpi slt, %add3A_209, %lt3A_210 : i32
      %convert_element_type3A_212 = arith.extui %lt3A_211 : i1 to i32
      %cond3A_213 = arith.constant 0 : i32
      %cond3A_214 = arith.cmpi ne, %convert_element_type3A_212, %cond3A_213 : i32
      scf.if %cond3A_214 {
        %add3A_231 = arith.constant 2 : i32
        %add3A_232 = arith.addi %add3A_191, %add3A_231 : i32
        %mul3A_233 = arith.constant 32 : i32
        %mul3A_234 = arith.muli %add3A_232, %mul3A_233 : i32
        %dma_start3A_235 = arith.constant 1 : i32
        %dma_start3A_236 = arith.constant 0 : i32
        %dma_start3A_237 = arith.constant 0 : i32
        %dma_start3A_238 = tpu.memref_slice %arg9[%dma_start3A_235, %dma_start3A_236, %dma_start3A_237] : memref<4x32x768xf32, #tpu.memory_space<vmem>> -> memref<1x32x768xf32, #tpu.memory_space<vmem>>
        %dma_start3A_239 = tpu.memref_squeeze %dma_start3A_238 : memref<1x32x768xf32, #tpu.memory_space<vmem>> -> memref<32x768xf32, #tpu.memory_space<vmem>>
        %dma_start3A_240 = tpu.memref_slice %arg8[%mul3A_234] : memref<8192xi32, #tpu.memory_space<vmem>> -> memref<32xi32, #tpu.memory_space<vmem>>
        %dma_start3A_241 = arith.constant 0 : i32
        %dma_start3A_242 = arith.constant 0 : i32
        %dma_start3A_243 = tpu.memref_slice %arg4[%dma_start3A_241, %dma_start3A_242] : memref<4100x768xf32, #tpu.memory_space<hbm>> -> memref<4100x768xf32, #tpu.memory_space<hbm>>
        tpu.enqueue_indirect_dma source(%dma_start3A_243 : memref<4100x768xf32, #tpu.memory_space<hbm>>) target(%dma_start3A_239 : memref<32x768xf32, #tpu.memory_space<vmem>>) offsets(%dma_start3A_240 : memref<32xi32, #tpu.memory_space<vmem>>) semaphore(%arg11 : memref<!tpu.dma_semaphore, #tpu.memory_space<semaphore_mem>>)
      } else {
      }
      %mul3A_215 = arith.constant 32 : i32
      %mul3A_216 = arith.muli %add3A_191, %mul3A_215 : i32
      %add3A_217 = arith.addi %mul3A_2, %mul3A_216 : i32
      %dma_start3A_218 = arith.constant 3 : i32
      %dma_start3A_219 = arith.constant 0 : i32
      %dma_start3A_220 = arith.constant 0 : i32
      %dma_start3A_221 = tpu.memref_slice %arg9[%dma_start3A_218, %dma_start3A_219, %dma_start3A_220] : memref<4x32x768xf32, #tpu.memory_space<vmem>> -> memref<1x32x768xf32, #tpu.memory_space<vmem>>
      %dma_start3A_222 = tpu.memref_squeeze %dma_start3A_221 : memref<1x32x768xf32, #tpu.memory_space<vmem>> -> memref<32x768xf32, #tpu.memory_space<vmem>>
      %dma_start3A_223 = arith.constant 0 : i32
      %dma_start3A_224 = tpu.memref_slice %arg5[%add3A_217, %dma_start3A_223] : memref<262144x768xf32, #tpu.memory_space<hbm>> -> memref<32x768xf32, #tpu.memory_space<hbm>>
      %dma_start3A_225 = arith.constant 0 : i32
      %dma_start3A_226 = tpu.memref_slice %arg5[%add3A_217, %dma_start3A_225] : memref<262144x768xf32, #tpu.memory_space<hbm>> -> memref<32x768xf32, #tpu.memory_space<hbm>>
      %dma_start3A_227 = arith.constant 0 : i32
      %dma_start3A_228 = arith.constant 0 : i32
      %dma_start3A_229 = tpu.memref_slice %arg9[%dma_start3A_218, %dma_start3A_227, %dma_start3A_228] : memref<4x32x768xf32, #tpu.memory_space<vmem>> -> memref<1x32x768xf32, #tpu.memory_space<vmem>>
      %dma_start3A_230 = tpu.memref_squeeze %dma_start3A_229 : memref<1x32x768xf32, #tpu.memory_space<vmem>> -> memref<32x768xf32, #tpu.memory_space<vmem>>
      tpu.enqueue_dma source(%dma_start3A_230 : memref<32x768xf32, #tpu.memory_space<vmem>>) target(%dma_start3A_226 : memref<32x768xf32, #tpu.memory_space<hbm>>) target_semaphore(%arg17 : memref<!tpu.dma_semaphore, #tpu.memory_space<semaphore_mem>>)
    }
    %scan3A_32 = arith.constant 64 : i32
    %add3A_33 = arith.constant 8128 : i32
    %add3A_34 = arith.addi %mul3A_2, %add3A_33 : i32
    %dma_wait3A = arith.constant 2 : i32
    %dma_wait3A_35 = arith.constant 0 : i32
    %dma_wait3A_36 = arith.constant 0 : i32
    %dma_wait3A_37 = tpu.memref_slice %arg9[%dma_wait3A, %dma_wait3A_35, %dma_wait3A_36] : memref<4x32x768xf32, #tpu.memory_space<vmem>> -> memref<1x32x768xf32, #tpu.memory_space<vmem>>
    %dma_wait3A_38 = tpu.memref_squeeze %dma_wait3A_37 : memref<1x32x768xf32, #tpu.memory_space<vmem>> -> memref<32x768xf32, #tpu.memory_space<vmem>>
    %dma_wait3A_39 = arith.constant 0 : i32
    %dma_wait3A_40 = tpu.memref_slice %arg5[%add3A_34, %dma_wait3A_39] : memref<262144x768xf32, #tpu.memory_space<hbm>> -> memref<32x768xf32, #tpu.memory_space<hbm>>
    %dma_wait3A_41 = arith.constant 0 : i32
    %dma_wait3A_42 = tpu.memref_slice %arg5[%add3A_34, %dma_wait3A_41] : memref<262144x768xf32, #tpu.memory_space<hbm>> -> memref<32x768xf32, #tpu.memory_space<hbm>>
    %dma_wait3A_43 = arith.constant 0 : i32
    %dma_wait3A_44 = arith.constant 0 : i32
    %dma_wait3A_45 = tpu.memref_slice %arg9[%dma_wait3A, %dma_wait3A_43, %dma_wait3A_44] : memref<4x32x768xf32, #tpu.memory_space<vmem>> -> memref<1x32x768xf32, #tpu.memory_space<vmem>>
    %dma_wait3A_46 = tpu.memref_squeeze %dma_wait3A_45 : memref<1x32x768xf32, #tpu.memory_space<vmem>> -> memref<32x768xf32, #tpu.memory_space<vmem>>
    tpu.wait_dma2 semaphore(%arg16 : memref<!tpu.dma_semaphore, #tpu.memory_space<semaphore_mem>>) src(%dma_wait3A_46 : memref<32x768xf32, #tpu.memory_space<vmem>>) dst(%dma_wait3A_42 : memref<32x768xf32, #tpu.memory_space<hbm>>)
    %add3A_47 = arith.constant 8160 : i32
    %add3A_48 = arith.addi %mul3A_2, %add3A_47 : i32
    %dma_wait3A_49 = arith.constant 3 : i32
    %dma_wait3A_50 = arith.constant 0 : i32
    %dma_wait3A_51 = arith.constant 0 : i32
    %dma_wait3A_52 = tpu.memref_slice %arg9[%dma_wait3A_49, %dma_wait3A_50, %dma_wait3A_51] : memref<4x32x768xf32, #tpu.memory_space<vmem>> -> memref<1x32x768xf32, #tpu.memory_space<vmem>>
    %dma_wait3A_53 = tpu.memref_squeeze %dma_wait3A_52 : memref<1x32x768xf32, #tpu.memory_space<vmem>> -> memref<32x768xf32, #tpu.memory_space<vmem>>
    %dma_wait3A_54 = arith.constant 0 : i32
    %dma_wait3A_55 = tpu.memref_slice %arg5[%add3A_48, %dma_wait3A_54] : memref<262144x768xf32, #tpu.memory_space<hbm>> -> memref<32x768xf32, #tpu.memory_space<hbm>>
    %dma_wait3A_56 = arith.constant 0 : i32
    %dma_wait3A_57 = tpu.memref_slice %arg5[%add3A_48, %dma_wait3A_56] : memref<262144x768xf32, #tpu.memory_space<hbm>> -> memref<32x768xf32, #tpu.memory_space<hbm>>
    %dma_wait3A_58 = arith.constant 0 : i32
    %dma_wait3A_59 = arith.constant 0 : i32
    %dma_wait3A_60 = tpu.memref_slice %arg9[%dma_wait3A_49, %dma_wait3A_58, %dma_wait3A_59] : memref<4x32x768xf32, #tpu.memory_space<vmem>> -> memref<1x32x768xf32, #tpu.memory_space<vmem>>
    %dma_wait3A_61 = tpu.memref_squeeze %dma_wait3A_60 : memref<1x32x768xf32, #tpu.memory_space<vmem>> -> memref<32x768xf32, #tpu.memory_space<vmem>>
    tpu.wait_dma2 semaphore(%arg17 : memref<!tpu.dma_semaphore, #tpu.memory_space<semaphore_mem>>) src(%dma_wait3A_61 : memref<32x768xf32, #tpu.memory_space<vmem>>) dst(%dma_wait3A_57 : memref<32x768xf32, #tpu.memory_space<hbm>>)
    return
  }
}

</mosaic_0001>

<sc_bundles>
// kernel: kernel.3.cloned.1.call-start
scs
__scs_entry_jumppad:
0x0: {  	(pc) =	sbr.rel $0x88, $3  }
0x1: {  	(tag) =	ssettag $0x0;
	lr =	simm.s32 $0x1  }
0x2: {  	[smem:$0x3F9F] =	sst lr;
	_ =	strace $0xD0000000  }
0x3: {  	_ = 	snop  }
0x4: {  	_ = 	snop  }
0x5: {  	_ = 	snop  }
0x6: {  	_ = 	snop  }
0x7: {  	_ = 	snop  }
__scs_overlays_trampoline_lowered:
0x8: {  	[smem:$0x3FAE] =	sst s0  }
0x9: {  	[smem:$0x3FAF] =	sst s1  }
0xa: {  	[smem:$0x3FB0] =	sst s2  }
0xb: {  	[smem:$0x3FB1] =	sst s3  }
0xc: {  	[smem:$0x3FB2] =	sst s4  }
0xd: {  	[smem:$0x3FB3] =	sst s5  }
0xe: {  	[smem:$0x3FB4] =	sst s6  }
0xf: {  	[smem:$0x3FB5] =	sst s7  }
0x10: {  	[smem:$0x3FB6] =	sst s8  }
0x11: {  	[smem:$0x3FB7] =	sst s9;
	s0 =	simm.s32 @!p0 $0x0  }
0x12: {  	s1 =	sld [smem:$0x3F9D];
	s0 =	simm.s32 @p0 $0x1  }
0x13: {  	[smem:$0x3FB8] =	sst s0;
	s0 =	simm.s32 @!p1 $0x0  }
0x14: {  	s2 =	sld [smem:$0x3F9C];
	s0 =	simm.s32 @p1 $0x1  }
0x15: {  	[smem:$0x3FB9] =	sst s0;
	s0 =	simm.s32 @!p2 $0x0  }
0x16: {  	s3 =	sld [smem:$0x3FDB];
	s0 =	simm.s32 @p2 $0x1  }
0x17: {  	s4 =	simm.s32 $0x1BF5;
	[smem:$0x3FBB] =	sst s0  }
0x18: {  	s0 =	sld [smem:$0x3F9E];
	_ =	swait.ge [sflag:s4], $0x0  }
0x19: {  	s7 =	sld [smem:$0x3F9F]  }
0x1a: {  	s8 =	sadd.s32 $0xFFFFE003, lr  }
0x1b: {  	s9 =	sadd.s32 $0xFFFFFEF7, lr;
	s5 =	simm.s32 $0xFFFFFFFF;
	p2 =	slt.u32 s8, $0xFFFFF086  }
0x1c: {  	p1 =	slt.u32 s9, $0xF7A;
	s5 =	simm.s32 @!p2 $0x0  }
0x1d: {  	s5 =	simm.s32 @p1 $0x1;
	p0 =	seq.s32 s7, s2  }
0x1e: {  	s7 =	smul.u32 @!p0 $0xF7A, s2;
	p2 =	seq.s32 @!p0 s5, $0x0  }
0x1f: {  	s9 =	smul.u32 $0xF7A, s1;
	s8 =	simm.s32 @!p0 $0x1BF5;
	p2 =	por !p2, p0  }
0x20: {  	[sflag:s8] =	ssyncset.s32 @!p0 $0xFFFFF086;
	s6 =	sadd.s32 @!p0 s3, s7;
	s7 =	simm.s32 @!p0 $0x108  }
0x21: {  	s3 =	sadd.s32 s3, s9;
	s6 =	sadd.s32 @!p0 $0x88, s6;
	s7 =	simm.s32 @p2 $0x1082  }
0x22: {  	[simem:s7], [sflag:s8] =	dma.local @!p0 [hbm:s6], $0xF7A  }
0x23: {  	s9 =	sor.u32 $0xD0000000, s2;
	s6 =	simm.s32 $0x108;
	_ =	swait.ge @!p0 [sflag:s8], $0x0  }
0x24: {  	s3 =	sadd.s32 $0x88, s3;
	s6 =	simm.s32 @!p1 $0x1082;
	[sflag:s4] =	ssyncset.s32 $0xFFFFF086  }
0x25: {  	[simem:s6], [sflag:s4] =	dma.local [hbm:s3], $0xF7A  }
0x26: {  	[smem:$0x3F9F] =	sst s1;
	(tag) =	ssettag s2;
	_ =	strace s9  }
0x27: {  	s1 =	sld [smem:$0x3FAF]  }
0x28: {  	s2 =	sld [smem:$0x3FB0]  }
0x29: {  	s4 =	sld [smem:$0x3FB2]  }
0x2a: {  	p0 =	seq.s32 s5, $0x0;
	s5 =	sld [smem:$0x3FB3]  }
0x2b: {  	s6 =	sld [smem:$0x3FB4]  }
0x2c: {  	s7 =	sld [smem:$0x3FB5]  }
0x2d: {  	s3 =	simm.s32 $0x108;
	s8 =	sld [smem:$0x3FB6]  }
0x2e: {  	s3 =	simm.s32 @!p0 $0x1082;
	s9 =	sld [smem:$0x3FB7]  }
0x2f: {  	lr =	sadd.s32 s0, s3;
	s0 =	sld [smem:$0x3FAE]  }
0x30: {  	s3 =	sld [smem:$0x3FB1]  }
0x31: {  	[smem:$0x3FBA] =	sst s10  }
0x32: {  	s10 =	sld [smem:$0x3FB8];
	_ =	sdelay $0x3  }
0x33: {  	p0 =	seq.s32 s10, $0x1;
	s10 =	sld [smem:$0x3FBA];
	_ =	sdelay $0x3  }
0x34: {  	[smem:$0x3FBA] =	sst s10  }
0x35: {  	s10 =	sld [smem:$0x3FB9];
	_ =	sdelay $0x3  }
0x36: {  	p1 =	seq.s32 s10, $0x1;
	s10 =	sld [smem:$0x3FBA];
	_ =	sdelay $0x3  }
0x37: {  	[smem:$0x3FBA] =	sst s10  }
0x38: {  	s10 =	sld [smem:$0x3FBB]  }
0x39: {  	_ = 	snop;
	(pc) =	sbr.ind lr, $3  }
0x3a: {  	_ = 	snop  }
0x3b: {  	_ = 	snop  }
0x3c: {  	p2 =	seq.s32 s10, $0x1;
	s10 =	sld [smem:$0x3FBA]  }
0x3d: {  	_ =	shalt  }
0x3e: {  	_ =	shalt  }
0x3f: {  	_ =	shalt  }
0x40: {  	_ =	shalt  }
0x41: {  	_ =	shalt  }
0x42: {  	_ =	shalt  }
0x43: {  	_ =	shalt  }
0x44: {  	_ =	shalt  }
0x45: {  	_ =	shalt  }
0x46: {  	_ =	shalt  }
0x47: {  	_ =	shalt  }
0x48: {  	_ =	shalt  }
0x49: {  	_ =	shalt  }
0x4a: {  	_ =	shalt  }
0x4b: {  	_ =	shalt  }
0x4c: {  	_ =	shalt  }
0x4d: {  	_ =	shalt  }
0x4e: {  	_ =	shalt  }
0x4f: {  	_ =	shalt  }
0x50: {  	_ =	shalt  }
0x51: {  	_ =	shalt  }
0x52: {  	_ =	shalt  }
0x53: {  	_ =	shalt  }
0x54: {  	_ =	shalt  }
0x55: {  	_ =	shalt  }
0x56: {  	_ =	shalt  }
0x57: {  	_ =	shalt  }
0x58: {  	_ =	shalt  }
0x59: {  	_ =	shalt  }
0x5a: {  	_ =	shalt  }
0x5b: {  	_ =	shalt  }
0x5c: {  	_ =	shalt  }
0x5d: {  	_ =	shalt  }
0x5e: {  	_ =	shalt  }
0x5f: {  	_ =	shalt  }
0x60: {  	_ =	shalt  }
0x61: {  	_ =	shalt  }
0x62: {  	_ =	shalt  }
0x63: {  	_ =	shalt  }
0x64: {  	_ =	shalt  }
0x65: {  	_ =	shalt  }
0x66: {  	_ =	shalt  }
0x67: {  	_ =	shalt  }
0x68: {  	_ =	shalt  }
0x69: {  	_ =	shalt  }
0x6a: {  	_ =	shalt  }
0x6b: {  	_ =	shalt  }
0x6c: {  	_ =	shalt  }
0x6d: {  	_ =	shalt  }
0x6e: {  	_ =	shalt  }
0x6f: {  	_ =	shalt  }
0x70: {  	_ =	shalt  }
0x71: {  	_ =	shalt  }
0x72: {  	_ =	shalt  }
0x73: {  	_ =	shalt  }
0x74: {  	_ =	shalt  }
0x75: {  	_ =	shalt  }
0x76: {  	_ =	shalt  }
0x77: {  	_ =	shalt  }
0x78: {  	_ =	shalt  }
0x79: {  	_ =	shalt  }
0x7a: {  	_ =	shalt  }
0x7b: {  	_ =	shalt  }
0x7c: {  	_ =	shalt  }
0x7d: {  	_ =	shalt  }
0x7e: {  	_ =	shalt  }
0x7f: {  	_ =	shalt  }
0x80: {  	_ =	shalt  }
0x81: {  	_ =	shalt  }
0x82: {  	_ =	shalt  }
0x83: {  	_ =	shalt  }
0x84: {  	_ =	shalt  }
0x85: {  	_ =	shalt  }
0x86: {  	_ =	shalt  }
0x87: {  	_ =	shalt  }
.Lfunc_end0:
.L_simem_size_0:
called_computation_lowered:
.L_overlay_start_0:
0x88: {  	s2 =	sld [smem:$0x3FD9]  }
0x89: {  	s3 =	sld [smem:$0x3FFE];
	_ =	sdelay $0x1  }
0x8a: {  	s1 =	srdreg.scid  }
0x8b: {  	s0 =	sand.u32 $0x1, s1  }
0x8c: {  	s17 =	sshll.u32 s0, $0xA;
	s2 =	sadd.s32 s3, s2  }
0x8d: {  	s2 =	sadd.s32 s2, s17  }
0x8e: {  	[smem:$0x3FC6] =	sst s2  }
0x8f: {  	_ = 	snop  }
0x90: {  	s2 =	sld [smem:$0x3FD0];
	(tm) =	ssettm $0x1  }
0x91: {  	s18 =	sld [smem:$0x3FFB];
	_ =	sdelay $0x3  }
0x92: {  	_ =	strace s18  }
0x93: {  	s3 =	sld [smem:$0x3FFC];
	_ =	sdelay $0x3  }
0x94: {  	_ =	strace s3  }
0x95: {  	s3 =	sld [smem:$0x3FFD];
	_ =	sdelay $0x3  }
0x96: {  	_ =	strace s3  }
0x97: {  	_ =	strace $0x8FFFFFFF  }
0x98: {  	s19 =	sld [smem:$0x3FDB];
	_ =	sdelay $0x1  }
0x99: {  	s4 =	simm.s32 $_scs_section_size  }
0x9a: {  	s5 =	simm.s32 $_size__tile_overlayer_lowered;
	s6 =	simm.s32 $_tile_overlayer_lowered  }
0x9b: {  	s22 =	simm.s32 $0x1BFF;
	s21 =	sshll.u32 s6, $0x1;
	s3 =	sadd.s32 s4, s19  }
0x9c: {  	s7 =	simm.s32 $0x0;
	s20 =	sshll.u32 s5, $0x1;
	s5 =	sadd.s32 s21, s3  }
0x9d: {  	[timem:s7], [sflag:s22] =	dma.local [hbm:s5], s20  }
0x9e: {  	_ =	swait.ge [sflag:s22], s20  }
0x9f: {  	s4 =	ssub.s32 $0x0, s20;
	[sflag:s22] =	ssyncset.done $0x0  }
0xa0: {  	[sflag:s22] =	ssyncadd.s32 s4;
	_ =	sdelay $0x1  }
0xa1: {  	s23 =	simm.s32 $0x1B8B  }
0xa2: {  	_ =	swait.ge [sflag:s23], $0x1  }
0xa3: {  	[sflag:s23] =	ssyncset.done $0x0  }
0xa4: {  	s25 =	simm.s32 $0x1B8E;
	s24 =	sld [smem:$0x3FFE];
	[sflag:s23] =	ssyncadd.s32 $0xFFFFFFFF  }
0xa5: {  	s26 =	simm.s32 $execute0_lowered;
	[smem:$0x3FD2] =	sst s25  }
0xa6: {  	s5 =	sshll.u32 s26, $0x1;
	_ =	strace $0x80000046;
	[dreg:$0x1] =	wrdreg $0xFFFFFFFF  }
0xa7: {  	s28 =	simm.s32 $_size_execute0_lowered;
	s3 =	sadd.s32 s3, s5;
	[dreg:$0x0] =	wrdreg $0x0  }
0xa8: {  	s5 =	sshll.u32 s28, $0x1;
	[dreg:$0x2] =	wrdreg s3  }
0xa9: {  	[dreg:$0x3] =	wrdreg s5  }
0xaa: {  	[dreg:$0x4] =	wrdreg $0xC0  }
0xab: {  	_ =	task [dreg:s7], $0x5FFFF  }
0xac: {  	[dreg:$0x1] =	wrdreg $0xFFFFFFFF  }
0xad: {  	[dreg:$0x0] =	wrdreg $0x60  }
0xae: {  	[dreg:$0x2] =	wrdreg s24  }
0xaf: {  	[dreg:$0x3] =	wrdreg s2  }
0xb0: {  	[dreg:$0x4] =	wrdreg $0x9  }
0xb1: {  	_ =	task.clear_ibuf [dreg:s7], $0x5FFFF;
	_ =	strace $0x90000046  }
0xb2: {  	s29 =	simm.s32 $0x9;
	_ =	strace $0x80000048  }
0xb3: {  	_ =	swait.ge [sflag:s29], $0x1  }
0xb4: {  	[sflag:s29] =	ssyncadd.s32 $0xFFFFFFFF  }
0xb5: {  	_ =	strace $0x90000048  }
0xb6: {  	_ =	sfence  }
0xb7: {  	s30 =	sld [smem:$0x0];
	_ =	sdelay $0x2  }
0xb8: {  	s31 =	sshll.u32 s1, $0xD;
	s1 =	sshrl.u32 s1, $0x2  }
0xb9: {  	s3 =	sand.u32 $0x4000, s31;
	s1 =	sadd.s32 s1, s30  }
0xba: {  	s0 =	sor.u32 s3, s0;
	s1 =	sshll.u32 s1, $0x11  }
0xbb: {  	s0 =	sor.u32 s1, s0  }
0xbc: {  	s0 =	sadd.s32 $0x8F2B, s0  }
0xbd: {  	[sflag:s0] =	ssyncadd.remote.s32 $0x1  }
0xbe: {  	_ =	sfence.sel $0xFFFF  }
0xbf: {  	[dreg:$0x0] =	wrdreg $0xFFFFFFFF;
	(pc) =	sbr.abs _section_cstart, $3  }
0xc0: {  	[dreg:$0x1] =	wrdreg $0xFFFFFFFF  }
0xc1: {  	_ =	task.clear_ibuf [dreg:s7], $0x2FFFF;
	_ =	strace $0x9FFFFFFF  }
0xc2: {  	(tm) =	ssettm $0x7FFFFFFF  }
0xc3: {  	_ =	shalt  }
tec
execute0_lowered:
.L_overlay_start_1:
0x0: {  	(tag) =	ssettag $0x1  }
0x1: {  	s0 =	srdreg.scid  }
0x2: {  	s2 =	stileid.u32;
	s0 =	sand.u32 $0x1, s0  }
0x3: {  	s1 =	rddreg [dreg:$0x0];
	s2 =	sshll.u32 s2, $0xE;
	s3 =	sshll.u32 s0, $0xD  }
0x4: {  	s4 =	rddreg [dreg:$0x1];
	s3 =	sor.u32 s3, s2;
	s2 =	simm.s32 $0x0  }
0x5: {  	s9 =	simm.s32 $0x13000;
	[smem:$0x7FF] =	sst s2  }
0x6: {  	s10 =	simm.s32 $0x13800;
	_ =	strace $0x80000047;
	[dreg:$0x7] =	wrdreg s9  }
0x7: {  	s11 =	simm.s32 $0x14000;
	[dreg:$0x8] =	wrdreg s10  }
0x8: {  	s12 =	simm.s32 $0x14800;
	s13 =	simm.s32 $0x15000;
	[dreg:$0x9] =	wrdreg s11  }
0x9: {  	s14 =	simm.s32 $0x15800;
	s15 =	simm.s32 $0x16000;
	[dreg:$0xa] =	wrdreg s12  }
0xa: {  	s16 =	simm.s32 $0x16800;
	s17 =	simm.s32 $0x17000;
	[dreg:$0xb] =	wrdreg s13  }
0xb: {  	s18 =	simm.s32 $0x17800;
	s19 =	simm.s32 $0x18800;
	[dreg:$0xc] =	wrdreg s14  }
0xc: {  	s20 =	simm.s32 $0x19000;
	s21 =	simm.s32 $0x19800;
	[dreg:$0xd] =	wrdreg s15  }
0xd: {  	s22 =	simm.s32 $0x1A000;
	s23 =	simm.s32 $0x1A800;
	[dreg:$0xe] =	wrdreg s16  }
0xe: {  	s24 =	simm.s32 $0x1B000;
	s25 =	simm.s32 $0x1B800;
	[dreg:$0xf] =	wrdreg s17  }
0xf: {  	s31 =	simm.s32 $0x10000;
	s0 =	ssub.s32 $0x2, s0;
	[dreg:$0x10] =	wrdreg s18  }
0x10: {  	s30 =	sshrl.u32 s0, $0x1;
	s5 =	sor.u32 $0x40, s3;
	[dreg:$0x11] =	wrdreg s19  }
0x11: {  	s6 =	sor.u32 $0x60, s3;
	s7 =	sshrl.u32 s3, $0x3;
	[dreg:$0x12] =	wrdreg s20  }
0x12: {  	s3 =	sadd.s32 $0x10800, s1;
	s0 =	ssub.s32 s0, s30;
	[dreg:$0x13] =	wrdreg s21  }
0x13: {  	s30 =	simm.s32 $0x1D800;
	s5 =	sshrl.u32 s5, $0x3;
	[dreg:$0x14] =	wrdreg s22  }
0x14: {  	s26 =	sshrl.u32 s6, $0x3;
	s28 =	sadd.s32 s7, s1;
	[dreg:$0x15] =	wrdreg s23  }
0x15: {  	s7 =	smul.u32 $0x300, s7;
	s6 =	sadd.s32 $0x10900, s1;
	[dreg:$0x16] =	wrdreg s24  }
0x16: {  	s9 =	simm.s32 $0x9;
	s10 =	simm.s32 $0x6000;
	[dreg:$0x17] =	wrdreg s25  }
0x17: {  	s22 =	simm.s32 $0xC000;
	[dreg:$0x1b] =	wrdreg s30;
	s11 =	simm.s32 $0x11800  }
0x18: {  	s12 =	simm.s32 $0x1;
	s13 =	simm.s32 $0x12000;
	s14 =	simm.s32 $0x2  }
0x19: {  	s15 =	simm.s32 $0x18000;
	s16 =	simm.s32 $0x3;
	s17 =	simm.s32 $0x5  }
0x1a: {  	s18 =	simm.s32 $0x4;
	s19 =	simm.s32 $0x6;
	s5 =	smul.u32 $0x300, s5  }
0x1b: {  	s20 =	simm.s32 $0x7;
	s8 =	smul.u32 $0x300, s26;
	s26 =	simm.s32 $0x1C000  }
0x1c: {  	s21 =	simm.s32 $0x8;
	[dreg:$0x18] =	wrdreg s26;
	s5 =	sadd.s32 s5, s4  }
0x1d: {  	s23 =	simm.s32 $0x0;
	s29 =	sadd.s32 s8, s4;
	[dreg:$0x3] =	wrdreg s5  }
0x1e: {  	s4 =	sadd.s32 s7, s4;
	s8 =	simm.s32 $0x12800;
	[dreg:$0x4] =	wrdreg s29  }
0x1f: {  	s7 =	sadd.s32 $0x10A00, s1;
	[dreg:$0x5] =	wrdreg s4;
	s4 =	sadd.s32 $0x8800, s28  }
0x20: {  	v2 =	vlaneseq.u32;
	[dreg:$0x6] =	wrdreg s8;
	s5 =	sadd.s32 $0x800, s28;
	s28 =	simm.s32 $0x1C800  }
0x21: {  	vm0 =	vmmov $0xffff;
	v1 =	vshrl.u32 v2, $0x3;
	s1 =	simm.s32 $0x10800;
	s29 =	simm.s32 $0x1D000;
	[dreg:$0x19] =	wrdreg s28  }
0x22: {  	v0 =	vand.u32 $0x7, v2;
	v2 =	vor.u32 $0x8, v2;
	v1 =	vmul.u32 $0x8, v1;
	s8 =	smax.u32 s0, $0x1;
	s0 =	simm.s32 $0x11000;
	[dreg:$0x1a] =	wrdreg s29  }
.LBB2_1:
0x23: {  	[tilespmem:s2], [sflag:$0x9] =	stream.linear.gather [hbm4b:s4+s2], $0x2000, $0x38;
	[tilespmem:$0x1E000] =	vst v63  }
0x24: {  	_ =	swait.ge [sflag:s9], $0x2000  }
0x25: {  	[sflag:s9] =	ssyncset.done $0x0  }
0x26: {  	s24 =	simm.s32 $0x2000;
	[sflag:s9] =	ssyncadd.s32 $0xFFFFE000  }
0x27: {  	[tilespmem:s24], [sflag:$0x9] =	stream.linear.gather [hbm4b:s5+s2], $0x2000, $0x38;
	[tilespmem:$0x1E000] =	vst v63  }
0x28: {  	_ =	swait.ge [sflag:s9], $0x2000  }
0x29: {  	[sflag:s9] =	ssyncset.done $0x0  }
0x2a: {  	[sflag:s9] =	ssyncadd.s32 $0xFFFFE000  }
0x2b: {  	v3 =	vld [tilespmem:s2+$0x0]  }
0x2c: {  	v4 =	vld [tilespmem:s24+$0x0]  }
0x2d: {  	s30 =	sand.u32 $0x3, s2  }
0x2e: {  	s24 =	smul.u32 $0x401, s30;
	_ =	sdelay $0x1  }
0x2f: {  	v5 =	vmov s24  }
0x30: {  	v5 =	vadd.s32 $0x1, v5;
	v3 =	vmul.f32 $3.200000000e+01, v3;
	v4 =	vmul.f32 $3.200000000e+01, v4  }
0x31: {  	v5 =	vbroadcast v5, $0x0  }
0x32: {  	v3 =	vtrunc.f32 v3;
	v4 =	vtrunc.f32 v4  }
0x33: {  	v3 =	vcvt.f32.s32 v3;
	v4 =	vcvt.f32.s32 v4;
	_ =	sdelay $0x1  }
0x34: {  	v3 =	vshll.u32 v3, $0x5;
	v4 =	vadd.s32 v4, v5  }
0x35: {  	s24 =	simm.s32 $0x4000;
	v3 =	vadd.s32 v3, v4  }
0x36: {  	s25 =	simm.s32 $0x10;
	[tilespmem:s24+$0x0] =	vst v3  }
0x37: {  	s26 =	simm.s32 $0x2010;
	v3 =	vld [tilespmem:s25+$0x0]  }
0x38: {  	s28 =	simm.s32 $0x1;
	s29 =	simm.s32 $0x2;
	v4 =	vld [tilespmem:s26+$0x0]  }
.LBB2_2:
0x39: {  	p0 =	sne.s32 s29, $0x1FF;
	s30 =	sand.u32 $0x3, s28;
	s28 =	smov.u32 s29  }
0x3a: {  	s30 =	smul.u32 $0x401, s30;
	_ =	sdelay $0x1  }
0x3b: {  	v5 =	vmov s30  }
0x3c: {  	v3 =	vmul.f32 $3.200000000e+01, v3;
	v4 =	vmul.f32 $3.200000000e+01, v4;
	v5 =	vadd.s32 $0x1, v5  }
0x3d: {  	v5 =	vbroadcast v5, $0x0  }
0x3e: {  	v3 =	vtrunc.f32 v3;
	v4 =	vtrunc.f32 v4  }
0x3f: {  	v3 =	vcvt.f32.s32 v3;
	v4 =	vcvt.f32.s32 v4;
	_ =	sdelay $0x1  }
.Ltmp0:
0x40: {  	v3 =	vshll.u32 v3, $0x5;
	v4 =	vadd.s32 v4, v5;
	(pc) =	sbr.rel @p0 .LBB2_2-.Ltmp0, $4  }
0x41: {  	s24 =	sadd.s32 $0x10, s24;
	v3 =	vadd.s32 v3, v4  }
0x42: {  	s25 =	sadd.s32 $0x10, s25;
	[tilespmem:s24+$0x0] =	vst v3  }
0x43: {  	s26 =	sadd.s32 $0x10, s26;
	v3 =	vld [tilespmem:s25+$0x0]  }
0x44: {  	s29 =	sadd.s32 $0x1, s29;
	v4 =	vld [tilespmem:s26+$0x0]  }
0x45: {  	s25 =	sand.u32 $0x3, s28  }
0x46: {  	s25 =	smul.u32 $0x401, s25;
	_ =	sdelay $0x1  }
0x47: {  	v5 =	vmov s25  }
0x48: {  	v3 =	vmul.f32 $3.200000000e+01, v3;
	v4 =	vmul.f32 $3.200000000e+01, v4;
	v5 =	vadd.s32 $0x1, v5  }
0x49: {  	v5 =	vbroadcast v5, $0x0  }
0x4a: {  	v3 =	vtrunc.f32 v3;
	v4 =	vtrunc.f32 v4  }
0x4b: {  	v3 =	vcvt.f32.s32 v3;
	v4 =	vcvt.f32.s32 v4;
	_ =	sdelay $0x1  }
0x4c: {  	v3 =	vshll.u32 v3, $0x5;
	v4 =	vadd.s32 v4, v5  }
0x4d: {  	s24 =	sadd.s32 $0x10, s24;
	v3 =	vadd.s32 v3, v4  }
0x4e: {  	[tilespmem:s24+$0x0] =	vst v3  }
0x4f: {  	v3 =	vld [tilespmem:$0x4000];
	_ =	sdelay $0x4  }
0x50: {  	v60 =	vshrl.u32 v3, $0x3  }
0x51: {  	v4 =	vmul.u32 $0x30, v60  }
0x52: {  	v3 =	vand.u32 $0x7, v3  }
0x53: {  	v3 =	vor.u32 v3, v4  }
0x54: {  	v4 =	vperm.xlane v3, v0;
	_ =	sdelay $0x1  }
0x55: {  	v4 =	vadd.s32 v1, v4;
	_ =	sdelay $0x3  }
0x56: {  	s24 =	simm.s32 $0x0;
	v3 =	vperm.xlane v3, v2  }
0x57: {  	[tilespmem:s10], [sflag:$0x1] =	stream.indirect_vreg.gather [hbm4b:s3+s24], $0x80, v4, vm0, $0xb8;
	[tilespmem:$0x1E000] =	vst v63  }
0x58: {  	s29 =	simm.s32 $0x6800;
	v3 =	vadd.s32 v1, v3  }
0x59: {  	[tilespmem:s29], [sflag:$0x1] =	stream.indirect_vreg.gather [hbm4b:s6+s24], $0x80, v4, vm0, $0xb8;
	[tilespmem:$0x1E000] =	vst v63  }
0x5a: {  	s30 =	simm.s32 $0x7000  }
0x5b: {  	[tilespmem:s30], [sflag:$0x1] =	stream.indirect_vreg.gather [hbm4b:s7+s24], $0x80, v4, vm0, $0xb8;
	[tilespmem:$0x1E000] =	vst v63  }
0x5c: {  	s26 =	simm.s32 $0x7800  }
0x5d: {  	[tilespmem:s26], [sflag:$0x1] =	stream.indirect_vreg.gather [hbm4b:s3+s24], $0x80, v3, vm0, $0xb8;
	[tilespmem:$0x1E000] =	vst v63  }
0x5e: {  	s28 =	simm.s32 $0x8000  }
0x5f: {  	[tilespmem:s28], [sflag:$0x1] =	stream.indirect_vreg.gather [hbm4b:s6+s24], $0x80, v3, vm0, $0xb8;
	[tilespmem:$0x1E000] =	vst v63  }
0x60: {  	s29 =	simm.s32 $0x8800  }
0x61: {  	[tilespmem:s29], [sflag:$0x1] =	stream.indirect_vreg.gather [hbm4b:s7+s24], $0x80, v3, vm0, $0xb8;
	[tilespmem:$0x1E000] =	vst v63  }
0x62: {  	v3 =	vld [tilespmem:$0x4010];
	_ =	sdelay $0x4  }
0x63: {  	v61 =	vshrl.u32 v3, $0x3  }
0x64: {  	v4 =	vmul.u32 $0x30, v61  }
0x65: {  	v3 =	vand.u32 $0x7, v3  }
0x66: {  	v3 =	vor.u32 v3, v4  }
0x67: {  	v4 =	vperm.xlane v3, v0;
	_ =	sdelay $0x1  }
0x68: {  	v4 =	vadd.s32 v1, v4;
	_ =	sdelay $0x3  }
0x69: {  	s30 =	simm.s32 $0x9000;
	v3 =	vperm.xlane v3, v2  }
0x6a: {  	[tilespmem:s30], [sflag:$0x1] =	stream.indirect_vreg.gather [hbm4b:s3+s24], $0x80, v4, vm0, $0xb8;
	[tilespmem:$0x1E000] =	vst v63  }
0x6b: {  	s26 =	simm.s32 $0x9800;
	v3 =	vadd.s32 v1, v3  }
0x6c: {  	[tilespmem:s26], [sflag:$0x1] =	stream.indirect_vreg.gather [hbm4b:s6+s24], $0x80, v4, vm0, $0xb8;
	[tilespmem:$0x1E000] =	vst v63  }
0x6d: {  	s28 =	simm.s32 $0xA000  }
0x6e: {  	[tilespmem:s28], [sflag:$0x1] =	stream.indirect_vreg.gather [hbm4b:s7+s24], $0x80, v4, vm0, $0xb8;
	[tilespmem:$0x1E000] =	vst v63  }
0x6f: {  	s29 =	simm.s32 $0xA800  }
0x70: {  	[tilespmem:s29], [sflag:$0x1] =	stream.indirect_vreg.gather [hbm4b:s3+s24], $0x80, v3, vm0, $0xb8;
	[tilespmem:$0x1E000] =	vst v63  }
0x71: {  	s30 =	simm.s32 $0xB000  }
0x72: {  	[tilespmem:s30], [sflag:$0x1] =	stream.indirect_vreg.gather [hbm4b:s6+s24], $0x80, v3, vm0, $0xb8;
	[tilespmem:$0x1E000] =	vst v63  }
0x73: {  	s26 =	simm.s32 $0xB800  }
0x74: {  	[tilespmem:s26], [sflag:$0x1] =	stream.indirect_vreg.gather [hbm4b:s7+s24], $0x80, v3, vm0, $0xb8;
	[tilespmem:$0x1E000] =	vst v63  }
0x75: {  	v3 =	vld [tilespmem:$0x4020];
	_ =	sdelay $0x4  }
0x76: {  	v62 =	vshrl.u32 v3, $0x3  }
0x77: {  	v4 =	vmul.u32 $0x30, v62  }
0x78: {  	v3 =	vand.u32 $0x7, v3  }
0x79: {  	v3 =	vor.u32 v3, v4  }
0x7a: {  	v4 =	vperm.xlane v3, v0;
	_ =	sdelay $0x1  }
0x7b: {  	v4 =	vadd.s32 v1, v4;
	_ =	sdelay $0x3  }
0x7c: {  	v3 =	vperm.xlane v3, v2  }
0x7d: {  	[tilespmem:s22], [sflag:$0x2] =	stream.indirect_vreg.gather [hbm4b:s3+s24], $0x80, v4, vm0, $0xb8;
	[tilespmem:$0x1E000] =	vst v63  }
0x7e: {  	s28 =	simm.s32 $0xC800;
	v3 =	vadd.s32 v1, v3  }
0x7f: {  	[tilespmem:s28], [sflag:$0x2] =	stream.indirect_vreg.gather [hbm4b:s6+s24], $0x80, v4, vm0, $0xb8;
	[tilespmem:$0x1E000] =	vst v63  }
0x80: {  	s29 =	simm.s32 $0xD000  }
0x81: {  	[tilespmem:s29], [sflag:$0x2] =	stream.indirect_vreg.gather [hbm4b:s7+s24], $0x80, v4, vm0, $0xb8;
	[tilespmem:$0x1E000] =	vst v63  }
0x82: {  	s30 =	simm.s32 $0xD800  }
0x83: {  	[tilespmem:s30], [sflag:$0x2] =	stream.indirect_vreg.gather [hbm4b:s3+s24], $0x80, v3, vm0, $0xb8;
	[tilespmem:$0x1E000] =	vst v63  }
0x84: {  	s26 =	simm.s32 $0xE000  }
0x85: {  	[tilespmem:s26], [sflag:$0x2] =	stream.indirect_vreg.gather [hbm4b:s6+s24], $0x80, v3, vm0, $0xb8;
	[tilespmem:$0x1E000] =	vst v63  }
0x86: {  	s28 =	simm.s32 $0xE800  }
0x87: {  	[tilespmem:s28], [sflag:$0x2] =	stream.indirect_vreg.gather [hbm4b:s7+s24], $0x80, v3, vm0, $0xb8;
	[tilespmem:$0x1E000] =	vst v63  }
0x88: {  	v3 =	vld [tilespmem:$0x4030];
	_ =	sdelay $0x4  }
0x89: {  	v63 =	vshrl.u32 v3, $0x3  }
0x8a: {  	v4 =	vmul.u32 $0x30, v63  }
0x8b: {  	v3 =	vand.u32 $0x7, v3  }
0x8c: {  	v3 =	vor.u32 v3, v4  }
0x8d: {  	v4 =	vperm.xlane v3, v0;
	_ =	sdelay $0x1  }
0x8e: {  	v4 =	vadd.s32 v1, v4;
	_ =	sdelay $0x3  }
0x8f: {  	s29 =	simm.s32 $0xF000;
	v3 =	vperm.xlane v3, v2  }
0x90: {  	[tilespmem:s29], [sflag:$0x2] =	stream.indirect_vreg.gather [hbm4b:s3+s24], $0x80, v4, vm0, $0xb8;
	[tilespmem:$0x1E000] =	vst v63  }
0x91: {  	s30 =	simm.s32 $0xF800;
	v3 =	vadd.s32 v1, v3  }
0x92: {  	[tilespmem:s30], [sflag:$0x2] =	stream.indirect_vreg.gather [hbm4b:s6+s24], $0x80, v4, vm0, $0xb8;
	[tilespmem:$0x1E000] =	vst v63  }
0x93: {  	_ = 	snop  }
0x94: {  	[tilespmem:s31], [sflag:$0x2] =	stream.indirect_vreg.gather [hbm4b:s7+s24], $0x80, v4, vm0, $0xb8;
	[tilespmem:$0x1E000] =	vst v63  }
0x95: {  	_ = 	snop  }
0x96: {  	[tilespmem:s1], [sflag:$0x2] =	stream.indirect_vreg.gather [hbm4b:s3+s24], $0x80, v3, vm0, $0xb8;
	[tilespmem:$0x1E000] =	vst v63  }
0x97: {  	_ = 	snop  }
0x98: {  	[tilespmem:s0], [sflag:$0x2] =	stream.indirect_vreg.gather [hbm4b:s6+s24], $0x80, v3, vm0, $0xb8;
	[tilespmem:$0x1E000] =	vst v63  }
0x99: {  	s25 =	simm.s32 $0x4060  }
0x9a: {  	[tilespmem:s11], [sflag:$0x2] =	stream.indirect_vreg.gather [hbm4b:s7+s24], $0x80, v3, vm0, $0xb8;
	[tilespmem:$0x1E000] =	vst v63  }
.LBB2_4:
0x9b: {  	_ =	swait.ge [sflag:s12], $0x6000  }
0x9c: {  	p0 =	seq.s32 s24, $0x0;
	[sflag:s12] =	ssyncset.done $0x0  }
0x9d: {  	s26 =	simm.s32 @!p0 $0x7;
	[sflag:s12] =	ssyncadd.s32 $0xFFFFA000  }
0x9e: {  	_ =	swait.ge @!p0 [sflag:s26], $0x6000  }
0x9f: {  	[sflag:s26] =	ssyncset.done @!p0 $0x0  }
0xa0: {  	[sflag:s26] =	ssyncadd.s32 @!p0 $0xFFFFA000  }
0xa1: {  	v3 =	vld [tilespmem:s25+$0xFFFFFFE0];
	_ =	sdelay $0x4  }
0xa2: {  	v4 =	vshrl.u32 v3, $0x3  }
0xa3: {  	v4 =	vmul.u32 $0x30, v4  }
0xa4: {  	v3 =	vand.u32 $0x7, v3  }
0xa5: {  	v3 =	vor.u32 v3, v4  }
0xa6: {  	v4 =	vperm.xlane v3, v0;
	_ =	sdelay $0x1  }
0xa7: {  	v4 =	vadd.s32 v1, v4;
	_ =	sdelay $0x3  }
0xa8: {  	v3 =	vperm.xlane v3, v2  }
0xa9: {  	[tilespmem:s13], [sflag:$0x3] =	stream.indirect_vreg.gather [hbm4b:s3+s2], $0x80, v4, vm0, $0xb8;
	[tilespmem:$0x1E000] =	vst v63  }
0xaa: {  	s29 =	rddreg [dreg:$0x6];
	v3 =	vadd.s32 v1, v3  }
0xab: {  	[tilespmem:s29], [sflag:$0x3] =	stream.indirect_vreg.gather [hbm4b:s6+s2], $0x80, v4, vm0, $0xb8;
	[tilespmem:$0x1E000] =	vst v63  }
0xac: {  	s28 =	rddreg [dreg:$0x7]  }
0xad: {  	[tilespmem:s28], [sflag:$0x3] =	stream.indirect_vreg.gather [hbm4b:s7+s2], $0x80, v4, vm0, $0xb8;
	[tilespmem:$0x1E000] =	vst v63  }
0xae: {  	s30 =	rddreg [dreg:$0x8]  }
0xaf: {  	[tilespmem:s30], [sflag:$0x3] =	stream.indirect_vreg.gather [hbm4b:s3+s2], $0x80, v3, vm0, $0xb8;
	[tilespmem:$0x1E000] =	vst v63  }
0xb0: {  	s29 =	rddreg [dreg:$0x9]  }
0xb1: {  	[tilespmem:s29], [sflag:$0x3] =	stream.indirect_vreg.gather [hbm4b:s6+s2], $0x80, v3, vm0, $0xb8;
	[tilespmem:$0x1E000] =	vst v63  }
0xb2: {  	s30 =	rddreg [dreg:$0xa]  }
0xb3: {  	[tilespmem:s30], [sflag:$0x3] =	stream.indirect_vreg.gather [hbm4b:s7+s2], $0x80, v3, vm0, $0xb8;
	[tilespmem:$0x1E000] =	vst v63  }
0xb4: {  	v3 =	vld [tilespmem:s25+$0xFFFFFFF0];
	_ =	sdelay $0x4  }
0xb5: {  	v61 =	vshrl.u32 v3, $0x3  }
0xb6: {  	v4 =	vmul.u32 $0x30, v61  }
0xb7: {  	v3 =	vand.u32 $0x7, v3  }
0xb8: {  	v3 =	vor.u32 v3, v4  }
0xb9: {  	v4 =	vperm.xlane v3, v0;
	_ =	sdelay $0x1  }
0xba: {  	v4 =	vadd.s32 v1, v4;
	_ =	sdelay $0x2  }
0xbb: {  	s29 =	rddreg [dreg:$0xb]  }
0xbc: {  	s30 =	rddreg [dreg:$0xc];
	v3 =	vperm.xlane v3, v2  }
0xbd: {  	[tilespmem:s29], [sflag:$0x3] =	stream.indirect_vreg.gather [hbm4b:s3+s2], $0x80, v4, vm0, $0xb8;
	[tilespmem:$0x1E000] =	vst v63  }
0xbe: {  	v3 =	vadd.s32 v1, v3;
	s29 =	rddreg [dreg:$0xd]  }
0xbf: {  	[tilespmem:s30], [sflag:$0x3] =	stream.indirect_vreg.gather [hbm4b:s6+s2], $0x80, v4, vm0, $0xb8;
	[tilespmem:$0x1E000] =	vst v63  }
0xc0: {  	s30 =	rddreg [dreg:$0xe]  }
0xc1: {  	[tilespmem:s29], [sflag:$0x3] =	stream.indirect_vreg.gather [hbm4b:s7+s2], $0x80, v4, vm0, $0xb8;
	[tilespmem:$0x1E000] =	vst v63  }
0xc2: {  	s29 =	rddreg [dreg:$0xf]  }
0xc3: {  	[tilespmem:s30], [sflag:$0x3] =	stream.indirect_vreg.gather [hbm4b:s3+s2], $0x80, v3, vm0, $0xb8;
	[tilespmem:$0x1E000] =	vst v63  }
0xc4: {  	s30 =	rddreg [dreg:$0x10]  }
0xc5: {  	[tilespmem:s29], [sflag:$0x3] =	stream.indirect_vreg.gather [hbm4b:s6+s2], $0x80, v3, vm0, $0xb8;
	[tilespmem:$0x1E000] =	vst v63  }
0xc6: {  	s29 =	rddreg [dreg:$0x5]  }
0xc7: {  	[tilespmem:s30], [sflag:$0x3] =	stream.indirect_vreg.gather [hbm4b:s7+s2], $0x80, v3, vm0, $0xb8;
	[tilespmem:$0x1E000] =	vst v63  }
0xc8: {  	s26 =	sadd.s32 s24, s29  }
0xc9: {  	[hbm4b:s26+s2] =	stream.linear.scatter [tilespmem:s10], [sflag:$0x5], $0x6000, $0x38;
	[tilespmem:$0x1E000] =	vst v63  }
0xca: {  	_ =	swait.ge [sflag:s14], $0x6000  }
0xcb: {  	[sflag:s14] =	ssyncset.done $0x0  }
0xcc: {  	s28 =	simm.s32 @!p0 $0x8;
	[sflag:s14] =	ssyncadd.s32 $0xFFFFA000  }
0xcd: {  	_ =	swait.ge @!p0 [sflag:s28], $0x6000  }
0xce: {  	[sflag:s28] =	ssyncset.done @!p0 $0x0  }
0xcf: {  	[sflag:s28] =	ssyncadd.s32 @!p0 $0xFFFFA000  }
0xd0: {  	v3 =	vld [tilespmem:s25+$0x0];
	_ =	sdelay $0x4  }
0xd1: {  	v62 =	vshrl.u32 v3, $0x3  }
0xd2: {  	v4 =	vmul.u32 $0x30, v62  }
0xd3: {  	v3 =	vand.u32 $0x7, v3  }
0xd4: {  	v3 =	vor.u32 v3, v4  }
0xd5: {  	v4 =	vperm.xlane v3, v0;
	_ =	sdelay $0x1  }
0xd6: {  	v4 =	vadd.s32 v1, v4;
	_ =	sdelay $0x3  }
0xd7: {  	v3 =	vperm.xlane v3, v2  }
0xd8: {  	[tilespmem:s15], [sflag:$0x4] =	stream.indirect_vreg.gather [hbm4b:s3+s2], $0x80, v4, vm0, $0xb8;
	[tilespmem:$0x1E000] =	vst v63  }
0xd9: {  	s30 =	rddreg [dreg:$0x11];
	v3 =	vadd.s32 v1, v3  }
0xda: {  	[tilespmem:s30], [sflag:$0x4] =	stream.indirect_vreg.gather [hbm4b:s6+s2], $0x80, v4, vm0, $0xb8;
	[tilespmem:$0x1E000] =	vst v63  }
0xdb: {  	s29 =	rddreg [dreg:$0x12]  }
0xdc: {  	[tilespmem:s29], [sflag:$0x4] =	stream.indirect_vreg.gather [hbm4b:s7+s2], $0x80, v4, vm0, $0xb8;
	[tilespmem:$0x1E000] =	vst v63  }
0xdd: {  	s30 =	rddreg [dreg:$0x13]  }
0xde: {  	[tilespmem:s30], [sflag:$0x4] =	stream.indirect_vreg.gather [hbm4b:s3+s2], $0x80, v3, vm0, $0xb8;
	[tilespmem:$0x1E000] =	vst v63  }
0xdf: {  	s29 =	rddreg [dreg:$0x14]  }
0xe0: {  	[tilespmem:s29], [sflag:$0x4] =	stream.indirect_vreg.gather [hbm4b:s6+s2], $0x80, v3, vm0, $0xb8;
	[tilespmem:$0x1E000] =	vst v63  }
0xe1: {  	s30 =	rddreg [dreg:$0x15]  }
0xe2: {  	[tilespmem:s30], [sflag:$0x4] =	stream.indirect_vreg.gather [hbm4b:s7+s2], $0x80, v3, vm0, $0xb8;
	[tilespmem:$0x1E000] =	vst v63  }
0xe3: {  	v3 =	vld [tilespmem:s25+$0x10];
	_ =	sdelay $0x4  }
0xe4: {  	v63 =	vshrl.u32 v3, $0x3  }
0xe5: {  	v4 =	vmul.u32 $0x30, v63  }
0xe6: {  	v3 =	vand.u32 $0x7, v3  }
0xe7: {  	v3 =	vor.u32 v3, v4  }
0xe8: {  	v4 =	vperm.xlane v3, v0;
	_ =	sdelay $0x1  }
0xe9: {  	v4 =	vadd.s32 v1, v4;
	_ =	sdelay $0x3  }
0xea: {  	s28 =	rddreg [dreg:$0x16];
	v3 =	vperm.xlane v3, v2  }
0xeb: {  	[tilespmem:s28], [sflag:$0x4] =	stream.indirect_vreg.gather [hbm4b:s3+s2], $0x80, v4, vm0, $0xb8;
	[tilespmem:$0x1E000] =	vst v63  }
0xec: {  	s30 =	rddreg [dreg:$0x17];
	v3 =	vadd.s32 v1, v3  }
0xed: {  	[tilespmem:s30], [sflag:$0x4] =	stream.indirect_vreg.gather [hbm4b:s6+s2], $0x80, v4, vm0, $0xb8;
	[tilespmem:$0x1E000] =	vst v63  }
0xee: {  	s28 =	rddreg [dreg:$0x18]  }
0xef: {  	[tilespmem:s28], [sflag:$0x4] =	stream.indirect_vreg.gather [hbm4b:s7+s2], $0x80, v4, vm0, $0xb8;
	[tilespmem:$0x1E000] =	vst v63  }
0xf0: {  	s30 =	rddreg [dreg:$0x19]  }
0xf1: {  	[tilespmem:s30], [sflag:$0x4] =	stream.indirect_vreg.gather [hbm4b:s3+s2], $0x80, v3, vm0, $0xb8;
	[tilespmem:$0x1E000] =	vst v63  }
0xf2: {  	s28 =	rddreg [dreg:$0x1a]  }
0xf3: {  	[tilespmem:s28], [sflag:$0x4] =	stream.indirect_vreg.gather [hbm4b:s6+s2], $0x80, v3, vm0, $0xb8;
	[tilespmem:$0x1E000] =	vst v63  }
0xf4: {  	s30 =	rddreg [dreg:$0x1b]  }
0xf5: {  	[tilespmem:s30], [sflag:$0x4] =	stream.indirect_vreg.gather [hbm4b:s7+s2], $0x80, v3, vm0, $0xb8;
	[tilespmem:$0x1E000] =	vst v63  }
0xf6: {  	s26 =	sadd.s32 $0xC00, s26  }
0xf7: {  	[hbm4b:s26+s2] =	stream.linear.scatter [tilespmem:s22], [sflag:$0x6], $0x6000, $0x38;
	[tilespmem:$0x1E000] =	vst v63  }
0xf8: {  	_ =	swait.ge [sflag:s16], $0x6000  }
0xf9: {  	[sflag:s16] =	ssyncset.done $0x0  }
0xfa: {  	[sflag:s16] =	ssyncadd.s32 $0xFFFFA000  }
0xfb: {  	_ =	swait.ge [sflag:s17], $0x6000  }
0xfc: {  	[sflag:s17] =	ssyncset.done $0x0  }
0xfd: {  	p0 =	seq.s32 s24, $0xBD000;
	[sflag:s17] =	ssyncadd.s32 $0xFFFFA000  }
0xfe: {  	v3 =	vld @!p0 [tilespmem:s25+$0x20];
	_ =	sdelay $0x4  }
0xff: {  	v4 =	vshrl.u32 @!p0 v3, $0x3  }
0x100: {  	v4 =	vmul.u32 @!p0 $0x30, v4  }
0x101: {  	v5 =	vlaneseq.u32 @!p0;
	v3 =	vand.u32 @!p0 $0x7, v3  }
0x102: {  	v6 =	vshrl.u32 @!p0 v5, $0x3;
	v3 =	vor.u32 @!p0 v3, v4;
	v4 =	vand.u32 @!p0 $0x7, v5  }
0x103: {  	v6 =	vmul.u32 @!p0 $0x8, v6;
	v7 =	vperm.xlane @!p0 v3, v4;
	_ =	sdelay $0x1  }
0x104: {  	v7 =	vadd.s32 @!p0 v6, v7;
	_ =	sdelay $0x2  }
0x105: {  	v5 =	vor.u32 @!p0 $0x8, v5  }
0x106: {  	vm1 =	vmmov @!p0 $0xffff;
	s28 =	simm.s32 @!p0 $0x6000;
	s26 =	simm.s32 @!p0 $0x0;
	v3 =	vperm.xlane @!p0 v3, v5  }
0x107: {  	[tilespmem:s28], [sflag:$0x1] =	stream.indirect_vreg.gather @!p0 [hbm4b:s3+s26], $0x80, v7, vm1, $0xb8;
	[tilespmem:$0x1E000] =	vst v63  }
0x108: {  	v3 =	vadd.s32 @!p0 v6, v3;
	s28 =	simm.s32 @!p0 $0x6800  }
0x109: {  	[tilespmem:s28], [sflag:$0x1] =	stream.indirect_vreg.gather @!p0 [hbm4b:s6+s26], $0x80, v7, vm1, $0xb8;
	[tilespmem:$0x1E000] =	vst v63  }
0x10a: {  	s28 =	simm.s32 @!p0 $0x7000  }
0x10b: {  	[tilespmem:s28], [sflag:$0x1] =	stream.indirect_vreg.gather @!p0 [hbm4b:s7+s26], $0x80, v7, vm1, $0xb8;
	[tilespmem:$0x1E000] =	vst v63  }
0x10c: {  	s28 =	simm.s32 @!p0 $0x7800  }
0x10d: {  	[tilespmem:s28], [sflag:$0x1] =	stream.indirect_vreg.gather @!p0 [hbm4b:s3+s26], $0x80, v3, vm1, $0xb8;
	[tilespmem:$0x1E000] =	vst v63  }
0x10e: {  	s28 =	simm.s32 @!p0 $0x8000  }
0x10f: {  	[tilespmem:s28], [sflag:$0x1] =	stream.indirect_vreg.gather @!p0 [hbm4b:s6+s26], $0x80, v3, vm1, $0xb8;
	[tilespmem:$0x1E000] =	vst v63  }
0x110: {  	s28 =	simm.s32 @!p0 $0x8800  }
0x111: {  	[tilespmem:s28], [sflag:$0x1] =	stream.indirect_vreg.gather @!p0 [hbm4b:s7+s26], $0x80, v3, vm1, $0xb8;
	[tilespmem:$0x1E000] =	vst v63  }
0x112: {  	v3 =	vld @!p0 [tilespmem:s25+$0x30];
	_ =	sdelay $0x4  }
0x113: {  	v7 =	vshrl.u32 @!p0 v3, $0x3  }
0x114: {  	v7 =	vmul.u32 @!p0 $0x30, v7  }
0x115: {  	v3 =	vand.u32 @!p0 $0x7, v3  }
0x116: {  	v3 =	vor.u32 @!p0 v3, v7  }
0x117: {  	v7 =	vperm.xlane @!p0 v3, v4;
	_ =	sdelay $0x1  }
0x118: {  	v7 =	vadd.s32 @!p0 v6, v7;
	_ =	sdelay $0x3  }
0x119: {  	s28 =	simm.s32 @!p0 $0x9000;
	v3 =	vperm.xlane @!p0 v3, v5  }
0x11a: {  	[tilespmem:s28], [sflag:$0x1] =	stream.indirect_vreg.gather @!p0 [hbm4b:s3+s26], $0x80, v7, vm1, $0xb8;
	[tilespmem:$0x1E000] =	vst v63  }
0x11b: {  	v3 =	vadd.s32 @!p0 v6, v3;
	s28 =	simm.s32 @!p0 $0x9800  }
0x11c: {  	[tilespmem:s28], [sflag:$0x1] =	stream.indirect_vreg.gather @!p0 [hbm4b:s6+s26], $0x80, v7, vm1, $0xb8;
	[tilespmem:$0x1E000] =	vst v63  }
0x11d: {  	s28 =	simm.s32 @!p0 $0xA000  }
0x11e: {  	[tilespmem:s28], [sflag:$0x1] =	stream.indirect_vreg.gather @!p0 [hbm4b:s7+s26], $0x80, v7, vm1, $0xb8;
	[tilespmem:$0x1E000] =	vst v63  }
0x11f: {  	s28 =	simm.s32 @!p0 $0xA800  }
0x120: {  	[tilespmem:s28], [sflag:$0x1] =	stream.indirect_vreg.gather @!p0 [hbm4b:s3+s26], $0x80, v3, vm1, $0xb8;
	[tilespmem:$0x1E000] =	vst v63  }
0x121: {  	s28 =	simm.s32 @!p0 $0xB000  }
0x122: {  	[tilespmem:s28], [sflag:$0x1] =	stream.indirect_vreg.gather @!p0 [hbm4b:s6+s26], $0x80, v3, vm1, $0xb8;
	[tilespmem:$0x1E000] =	vst v63  }
0x123: {  	s29 =	simm.s32 @!p0 $0xB800;
	s30 =	rddreg [dreg:$0x3]  }
0x124: {  	[tilespmem:s29], [sflag:$0x1] =	stream.indirect_vreg.gather @!p0 [hbm4b:s7+s26], $0x80, v3, vm1, $0xb8;
	[tilespmem:$0x1E000] =	vst v63  }
0x125: {  	s28 =	sadd.s32 s24, s30  }
0x126: {  	[hbm4b:s28+s2] =	stream.linear.scatter [tilespmem:s13], [sflag:$0x7], $0x6000, $0x38;
	[tilespmem:$0x1E000] =	vst v63  }
0x127: {  	_ =	swait.ge [sflag:s18], $0x6000  }
0x128: {  	[sflag:s18] =	ssyncset.done $0x0  }
0x129: {  	[sflag:s18] =	ssyncadd.s32 $0xFFFFA000  }
0x12a: {  	_ =	swait.ge [sflag:s19], $0x6000  }
0x12b: {  	[sflag:s19] =	ssyncset.done $0x0  }
0x12c: {  	[sflag:s19] =	ssyncadd.s32 $0xFFFFA000  }
0x12d: {  	v3 =	vld @!p0 [tilespmem:s25+$0x40];
	_ =	sdelay $0x4  }
0x12e: {  	v7 =	vshrl.u32 @!p0 v3, $0x3  }
0x12f: {  	v7 =	vmul.u32 @!p0 $0x30, v7  }
0x130: {  	v3 =	vand.u32 @!p0 $0x7, v3  }
0x131: {  	v3 =	vor.u32 @!p0 v3, v7  }
0x132: {  	v7 =	vperm.xlane @!p0 v3, v4;
	_ =	sdelay $0x1  }
0x133: {  	v7 =	vadd.s32 @!p0 v6, v7;
	_ =	sdelay $0x3  }
0x134: {  	s28 =	simm.s32 @!p0 $0xC000;
	v3 =	vperm.xlane @!p0 v3, v5  }
0x135: {  	[tilespmem:s28], [sflag:$0x2] =	stream.indirect_vreg.gather @!p0 [hbm4b:s3+s26], $0x80, v7, vm1, $0xb8;
	[tilespmem:$0x1E000] =	vst v63  }
0x136: {  	v3 =	vadd.s32 @!p0 v6, v3;
	s28 =	simm.s32 @!p0 $0xC800  }
0x137: {  	[tilespmem:s28], [sflag:$0x2] =	stream.indirect_vreg.gather @!p0 [hbm4b:s6+s26], $0x80, v7, vm1, $0xb8;
	[tilespmem:$0x1E000] =	vst v63  }
0x138: {  	s28 =	simm.s32 @!p0 $0xD000  }
0x139: {  	[tilespmem:s28], [sflag:$0x2] =	stream.indirect_vreg.gather @!p0 [hbm4b:s7+s26], $0x80, v7, vm1, $0xb8;
	[tilespmem:$0x1E000] =	vst v63  }
0x13a: {  	s28 =	simm.s32 @!p0 $0xD800  }
0x13b: {  	[tilespmem:s28], [sflag:$0x2] =	stream.indirect_vreg.gather @!p0 [hbm4b:s3+s26], $0x80, v3, vm1, $0xb8;
	[tilespmem:$0x1E000] =	vst v63  }
0x13c: {  	s28 =	simm.s32 @!p0 $0xE000  }
0x13d: {  	[tilespmem:s28], [sflag:$0x2] =	stream.indirect_vreg.gather @!p0 [hbm4b:s6+s26], $0x80, v3, vm1, $0xb8;
	[tilespmem:$0x1E000] =	vst v63  }
0x13e: {  	s28 =	simm.s32 @!p0 $0xE800  }
0x13f: {  	[tilespmem:s28], [sflag:$0x2] =	stream.indirect_vreg.gather @!p0 [hbm4b:s7+s26], $0x80, v3, vm1, $0xb8;
	[tilespmem:$0x1E000] =	vst v63  }
0x140: {  	v3 =	vld @!p0 [tilespmem:s25+$0x50];
	_ =	sdelay $0x4  }
0x141: {  	v7 =	vshrl.u32 @!p0 v3, $0x3  }
0x142: {  	v7 =	vmul.u32 @!p0 $0x30, v7  }
0x143: {  	v3 =	vand.u32 @!p0 $0x7, v3  }
0x144: {  	v3 =	vor.u32 @!p0 v3, v7  }
0x145: {  	v4 =	vperm.xlane @!p0 v3, v4;
	_ =	sdelay $0x1  }
0x146: {  	v4 =	vadd.s32 @!p0 v6, v4;
	_ =	sdelay $0x3  }
0x147: {  	s28 =	simm.s32 @!p0 $0xF000;
	v3 =	vperm.xlane @!p0 v3, v5  }
0x148: {  	[tilespmem:s28], [sflag:$0x2] =	stream.indirect_vreg.gather @!p0 [hbm4b:s3+s26], $0x80, v4, vm1, $0xb8;
	[tilespmem:$0x1E000] =	vst v63  }
0x149: {  	v3 =	vadd.s32 @!p0 v6, v3;
	s28 =	simm.s32 @!p0 $0xF800  }
0x14a: {  	[tilespmem:s28], [sflag:$0x2] =	stream.indirect_vreg.gather @!p0 [hbm4b:s6+s26], $0x80, v4, vm1, $0xb8;
	[tilespmem:$0x1E000] =	vst v63  }
0x14b: {  	s28 =	simm.s32 @!p0 $0x10000  }
0x14c: {  	[tilespmem:s28], [sflag:$0x2] =	stream.indirect_vreg.gather @!p0 [hbm4b:s7+s26], $0x80, v4, vm1, $0xb8;
	[tilespmem:$0x1E000] =	vst v63  }
0x14d: {  	s28 =	simm.s32 @!p0 $0x10800  }
0x14e: {  	[tilespmem:s28], [sflag:$0x2] =	stream.indirect_vreg.gather @!p0 [hbm4b:s3+s26], $0x80, v3, vm1, $0xb8;
	[tilespmem:$0x1E000] =	vst v63  }
0x14f: {  	s30 =	rddreg [dreg:$0x4];
	s28 =	simm.s32 @!p0 $0x11000  }
0x150: {  	[tilespmem:s28], [sflag:$0x2] =	stream.indirect_vreg.gather @!p0 [hbm4b:s6+s26], $0x80, v3, vm1, $0xb8;
	[tilespmem:$0x1E000] =	vst v63  }
0x151: {  	s29 =	simm.s32 @!p0 $0x11800;
	s30 =	sadd.s32 s24, s30;
	s24 =	sadd.s32 $0x3000, s24  }
0x152: {  	[tilespmem:s29], [sflag:$0x2] =	stream.indirect_vreg.gather @!p0 [hbm4b:s7+s26], $0x80, v3, vm1, $0xb8;
	[tilespmem:$0x1E000] =	vst v63  }
0x153: {  	p0 =	sne.s32 s24, $0xC0000  }
.Ltmp1:
0x154: {  	_ = 	snop;
	(pc) =	sbr.rel @p0 .LBB2_4-.Ltmp1, $3  }
0x155: {  	_ =	sdelay $0x1  }
0x156: {  	s25 =	sadd.s32 $0x80, s25  }
0x157: {  	[hbm4b:s30+s2] =	stream.linear.scatter [tilespmem:s15], [sflag:$0x8], $0x6000, $0x38;
	[tilespmem:$0x1E000] =	vst v63  }
0x158: {  	s23 =	sadd.s32 $0x1, s23  }
0x159: {  	_ =	swait.ge [sflag:s20], $0x6000;
	p0 =	sne.s32 s23, s8  }
.Ltmp2:
0x15a: {  	[sflag:s20] =	ssyncset.done $0x0;
	(pc) =	sbr.rel @p0 .LBB2_1-.Ltmp2, $4  }
0x15b: {  	[sflag:s20] =	ssyncadd.s32 $0xFFFFA000  }
0x15c: {  	_ =	swait.ge [sflag:s21], $0x6000  }
0x15d: {  	[sflag:s21] =	ssyncset.done $0x0  }
0x15e: {  	[sflag:s21] =	ssyncadd.s32 $0xFFFFA000  }
0x15f: {  	_ =	sfence.sel $0x180000  }
0x160: {  	[bflag:$0x0] =	sbarrier.arrive $0xFFFF  }
0x161: {  	_ =	strace $0x90000047  }
0x162: {  	s0 =	stileid.u32;
	[bflag:$0x2] =	sbarrier.arrive $0xFFFF  }
0x163: {  	p0 =	sne.s32 s0, $0x0;
	s0 =	rddreg [dreg:$0x2]  }
0x164: {  	s0 =	sadd.s32 @!p0 $0x100000, s0  }
0x165: {  	[sflag:s0] =	ssyncadd.tile.s32 @!p0 $0x1;
	_ =	shalt  }
.Lfunc_end2:
_tile_overlayer_lowered:
.L_overlay_start_2:
0x166: {  	(tag) =	ssettag $0x2  }
0x167: {  	s0 =	rddreg [dreg:$0x0];
	s2 =	stileid.u32  }
0x168: {  	s1 =	rddreg [dreg:$0x1];
	p0 =	sne.s32 s2, $0x0  }
0x169: {  	s3 =	rddreg [dreg:$0x2];
	[bflag:$0x3] =	sbarrier.arrive $0xFFFF;
	s2 =	simm.s32 @!p0 $0x1C09  }
0x16a: {  	[timem:s3], [sflag:s2] =	dma.local @!p0 [hbm:s0], s1  }
0x16b: {  	s0 =	simm.s32 @!p0 $0x9  }
0x16c: {  	_ =	swait.ge @!p0 [sflag:s0], s1  }
0x16d: {  	s1 =	ssub.s32 @!p0 $0x0, s1;
	[sflag:s0] =	ssyncset.done @!p0 $0x0  }
0x16e: {  	[sflag:s0] =	ssyncadd.s32 @!p0 s1  }
0x16f: {  	[bflag:$0x3] =	sbarrier.arrive $0xFFFF  }
0x170: {  	_ =	shalt  }

</sc_bundles>
